<compile_context>
chip_gen: v7x
topology: tpu7x:2x2x1
jax: 0.10.2.dev20260603
libtpu: 0.0.44.dev20260713+nightly
codegen_flags: <defaults>
</compile_context>

<pallas_src>
import functools

import jax
import jax.numpy as jnp
from jax import lax
from jax.experimental import pallas as pl
from jax.experimental.pallas import tpu as pltpu
from jax.experimental.pallas import tpu_sc as plsc

H, W, FD = 1024, 1024, 2
NC, NS, L = 2, 16, 16
NW = NC * NS

N = 16384 * 200
UNROLL = 2
NP = 200
NX = 16384
SEG = NX // NW

PV = H * W
STAGE = PV // NS


def _idx_loop(xy_v, i00_v, i01_v, wx_v, wy_v):
    def idx_body(t, carry):
        for u in range(UNROLL):
            i = t * UNROLL + u
            b = i * L
            xo = (i // 8) * 256 + (i % 8) * L
            x = xy_v[pl.ds(xo, L)] * float(W - 1)
            y = xy_v[pl.ds(xo + 128, L)] * float(H - 1)
            x0 = x.astype(jnp.int32)
            y0 = y.astype(jnp.int32)
            wx = x - x0.astype(jnp.float32)
            wy = y - y0.astype(jnp.float32)
            idx = lax.shift_left(y0, 10) + x0
            i00_v[pl.ds(b, L)] = idx
            i01_v[pl.ds(b, L)] = idx + 1
            wx_v[pl.ds(b, L)] = wx
            wy_v[pl.ds(b, L)] = wy
        return carry

    lax.fori_loop(0, SEG // L // UNROLL, idx_body, 0)


def _mix_loop(r00_v, r01_v, r10_v, r11_v, wx_v, wy_v, o_v):
    def mix_body(t, carry):
      for u in range(UNROLL):
        i = t * UNROLL + u
        b = i * L
        wx = wx_v[pl.ds(b, L)]
        wy = wy_v[pl.ds(b, L)]
        u00 = plsc.bitcast(r00_v[pl.ds(b, L)], jnp.int32)
        u01 = plsc.bitcast(r01_v[pl.ds(b, L)], jnp.int32)
        u10 = plsc.bitcast(r10_v[pl.ds(b, L)], jnp.int32)
        u11 = plsc.bitcast(r11_v[pl.ds(b, L)], jnp.int32)
        hm = jnp.int32(-65536)
        a00 = plsc.bitcast(lax.shift_left(u00, 16), jnp.float32)
        a01 = plsc.bitcast(lax.shift_left(u01, 16), jnp.float32)
        a10 = plsc.bitcast(lax.shift_left(u10, 16), jnp.float32)
        a11 = plsc.bitcast(lax.shift_left(u11, 16), jnp.float32)
        b00 = plsc.bitcast(u00 & hm, jnp.float32)
        b01 = plsc.bitcast(u01 & hm, jnp.float32)
        b10 = plsc.bitcast(u10 & hm, jnp.float32)
        b11 = plsc.bitcast(u11 & hm, jnp.float32)
        t0 = a00 + wx * (a01 - a00)
        u0 = a10 + wx * (a11 - a10)
        t1 = b00 + wx * (b01 - b00)
        u1 = b10 + wx * (b11 - b10)
        oo = (i // 8) * 256 + (i % 8) * L
        o_v[pl.ds(oo, L)] = t0 + wy * (u0 - t0)
        o_v[pl.ds(oo + 128, L)] = t1 + wy * (u1 - t1)
      return carry

    lax.fori_loop(0, SEG // L // UNROLL, mix_body, 0)


def _sc_body(coords_hbm, table_hbm, out_hbm, shared,
             xy0_v, xy1_v,
             a00_v, a01_v, b00_v, b01_v,
             wxa_v, wya_v, wxb_v, wyb_v,
             p00_v, p01_v, p10_v, p11_v, q00_v, q01_v, q10_v, q11_v,
             oa_v, ob_v,
             si0, si1, sg0, sg1, so0, so1):
    cid = lax.axis_index("c")
    sid = lax.axis_index("s")
    wid = sid * NC + cid
    nbase = wid * (2 * SEG)

    xys = [xy0_v, xy1_v]
    idxs = [[a00_v, a01_v], [b00_v, b01_v]]
    wxs = [wxa_v, wxb_v]
    wys = [wya_v, wyb_v]
    rs = [[p00_v, p01_v, p10_v, p11_v], [q00_v, q01_v, q10_v, q11_v]]
    os_ = [oa_v, ob_v]
    sin = [si0, si1]
    sgat = [sg0, sg1]
    sout = [so0, so1]

    pltpu.sync_copy(table_hbm.at[pl.ds(sid * STAGE, STAGE)],
                    shared.at[pl.ds(sid * STAGE, STAGE)])
    plsc.subcore_barrier()

    def in_start(k, b):
        base = k * (2 * NX) + nbase
        pltpu.async_copy(coords_hbm.at[pl.ds(base, 2 * SEG)], xys[b], sin[b])

    def in_wait(k, b):
        base = k * (2 * NX) + nbase
        pltpu.make_async_copy(coords_hbm.at[pl.ds(base, 2 * SEG)], xys[b], sin[b]).wait()

    shifted = shared.at[pl.ds(W, PV - W)]

    HS = SEG // 2

    def gat_streams(b):
        i0, i1 = idxs[b]
        r00, r01, r10, r11 = rs[b]
        out = []
        for iv, rv, tab in ((i0, r00, shared), (i1, r01, shared),
                            (i0, r10, shifted), (i1, r11, shifted)):
            for h in range(2):
                out.append((tab.at[iv.at[pl.ds(h * HS, HS)]],
                            rv.at[pl.ds(h * HS, HS)]))
        return out

    def gat_start(b):
        for s, d in gat_streams(b):
            pltpu.async_copy(s, d, sgat[b])

    def gat_wait(b):
        for s, d in gat_streams(b):
            pltpu.make_async_copy(s, d, sgat[b]).wait()

    def out_start(k, b):
        base = k * (2 * NX) + nbase
        pltpu.async_copy(os_[b], out_hbm.at[pl.ds(base, 2 * SEG)], sout[b])

    def out_wait(k, b):
        base = k * (2 * NX) + nbase
        pltpu.make_async_copy(os_[b], out_hbm.at[pl.ds(base, 2 * SEG)], sout[b]).wait()

    in_start(0, 0)

    def pipe_body(t, carry):
        for buf in (0, 1):
            k = t * 2 + buf
            nbuf = 1 - buf
            if buf == 0:
                in_start(k + 1, nbuf)
            else:
                @pl.when(k + 1 < NP)
                def _():
                    in_start(k + 1, nbuf)
            in_wait(k, buf)
            _idx_loop(xys[buf], *idxs[buf], wxs[buf], wys[buf])
            gat_start(buf)

            def tail():
                gat_wait(nbuf)

                @pl.when(k >= 3)
                def _():
                    out_wait(k - 3, nbuf)

                _mix_loop(*rs[nbuf], wxs[nbuf], wys[nbuf], os_[nbuf])
                out_start(k - 1, nbuf)

            if buf == 1:
                tail()
            else:
                @pl.when(k >= 1)
                def _():
                    tail()
        return carry

    lax.fori_loop(0, NP // 2, pipe_body, 0)

    gat_wait(1)
    out_wait(NP - 3, 1)
    _mix_loop(*rs[1], wxs[1], wys[1], os_[1])
    out_start(NP - 1, 1)
    out_wait(NP - 2, 0)
    out_wait(NP - 1, 1)


_sc_sample = functools.partial(
    pl.kernel,
    out_type=jax.ShapeDtypeStruct((N * FD,), jnp.float32),
    mesh=plsc.VectorSubcoreMesh(
        core_axis_name="c", subcore_axis_name="s", num_cores=NC, num_subcores=NS
    ),
    compiler_params=pltpu.CompilerParams(needs_layout_passes=False),
    scratch_types=[
        pltpu.VMEM_SHARED((PV,), jnp.float32),
    ] + [pltpu.VMEM((2 * SEG,), jnp.float32) for _ in range(2)]
    + [pltpu.VMEM((SEG,), jnp.int32) for _ in range(4)]
    + [pltpu.VMEM((SEG,), jnp.float32) for _ in range(4)]
    + [pltpu.VMEM((SEG,), jnp.float32) for _ in range(8)]
    + [pltpu.VMEM((2 * SEG,), jnp.float32) for _ in range(2)]
    + [pltpu.SemaphoreType.DMA for _ in range(6)],
)(_sc_body)


def kernel(coords, vector_field):
    vt = vector_field.transpose(0, 2, 1)
    g16 = lax.bitcast_convert_type(
        vt.astype(jnp.bfloat16), jnp.uint16
    ).astype(jnp.uint32)
    packed = (g16[:, 0, :] | (g16[:, 1, :] << 16)).reshape(-1)
    table = lax.bitcast_convert_type(packed, jnp.float32)
    ct = coords.reshape(NX // 128, 128, NP, FD).transpose(2, 0, 3, 1).reshape(-1)
    out = _sc_sample(ct, table)
    return (out.reshape(NP, NX // 128, FD, 128)
            .transpose(1, 3, 0, 2).reshape(NX, NP, FD))

# --- scband reference (transcript-rebuilt; emitter-appended) ---
"""Pipeline reference for scband-regular-vector-field-17154099380945 (READ-ONLY COPY).

The authoritative reference and input builder live on the scoring server;
editing this copy changes nothing except your own understanding.
"""

import jax, jax.numpy as jnp
import numpy as np

HEIGHT, WIDTH, FDIM = 1024, 1024, 2


def sample_from_grid(coords, grid):
    # coords: [N, 2] in [0, 1), interpreted as (x, y) normalized coordinates.
    # grid:   [H, W, C]
    H, W, C = grid.shape
    x = coords[:, 0] * (W - 1)
    y = coords[:, 1] * (H - 1)
    xf = jnp.floor(x)
    yf = jnp.floor(y)
    wx = x - xf
    wy = y - yf
    x0 = jnp.clip(xf, 0, W - 1).astype(jnp.int32)
    x1 = jnp.clip(xf + 1, 0, W - 1).astype(jnp.int32)
    y0 = jnp.clip(yf, 0, H - 1).astype(jnp.int32)
    y1 = jnp.clip(yf + 1, 0, H - 1).astype(jnp.int32)
    g00 = grid[y0, x0]  # [N, C]
    g01 = grid[y0, x1]
    g10 = grid[y1, x0]
    g11 = grid[y1, x1]
    wx = wx[:, None]
    wy = wy[:, None]
    out = (g00 * (1.0 - wx) * (1.0 - wy)
           + g01 * wx * (1.0 - wy)
           + g10 * (1.0 - wx) * wy
           + g11 * wx * wy)
    return out


def setup_inputs(seed: int = 0) -> dict:
    key = jax.random.key(seed)
    k1, k2 = jax.random.split(key)
    coords = jax.random.uniform(k1, (16384, 200, 2), dtype=jnp.float32)
    vector_field = jax.random.normal(k2, (HEIGHT, WIDTH, FDIM), dtype=jnp.float32)
    return {"coords": coords, "vector_field": vector_field}


def reference(coords, vector_field):
    shape = coords.shape
    flat = coords.reshape(-1, shape[-1])
    samples = sample_from_grid(flat, vector_field)
    sample_dim = samples.shape[-1]
    return samples.reshape(*shape[:-1], sample_dim)

if __name__ == "__main__":
    import jax
    _d = setup_inputs()
    print(jax.jit(kernel)(*tuple(_d.values())))

</pallas_src>

<mosaic_0001>
#map = affine_map<(d0, d1) -> (0)>
module attributes {stable_mosaic.version = 14 : i64} {
  func.func @_sc_body(%arg0: i32, %arg1: i32, %arg2: memref<6553600xf32, #tpu.memory_space<hbm>>, %arg3: memref<1048576xf32, #tpu.memory_space<hbm>>, %arg4: memref<6553600xf32, #tpu.memory_space<hbm>>, %arg5: memref<1048576xf32, #tpu.memory_space<vmem_shared>>, %arg6: memref<1024xf32, #tpu.memory_space<vmem>>, %arg7: memref<1024xf32, #tpu.memory_space<vmem>>, %arg8: memref<512xi32, #tpu.memory_space<vmem>>, %arg9: memref<512xi32, #tpu.memory_space<vmem>>, %arg10: memref<512xi32, #tpu.memory_space<vmem>>, %arg11: memref<512xi32, #tpu.memory_space<vmem>>, %arg12: memref<512xf32, #tpu.memory_space<vmem>>, %arg13: memref<512xf32, #tpu.memory_space<vmem>>, %arg14: memref<512xf32, #tpu.memory_space<vmem>>, %arg15: memref<512xf32, #tpu.memory_space<vmem>>, %arg16: memref<512xf32, #tpu.memory_space<vmem>>, %arg17: memref<512xf32, #tpu.memory_space<vmem>>, %arg18: memref<512xf32, #tpu.memory_space<vmem>>, %arg19: memref<512xf32, #tpu.memory_space<vmem>>, %arg20: memref<512xf32, #tpu.memory_space<vmem>>, %arg21: memref<512xf32, #tpu.memory_space<vmem>>, %arg22: memref<512xf32, #tpu.memory_space<vmem>>, %arg23: memref<512xf32, #tpu.memory_space<vmem>>, %arg24: memref<1024xf32, #tpu.memory_space<vmem>>, %arg25: memref<1024xf32, #tpu.memory_space<vmem>>, %arg26: memref<!tpu.dma_semaphore, #tpu.memory_space<semaphore_mem>>, %arg27: memref<!tpu.dma_semaphore, #tpu.memory_space<semaphore_mem>>, %arg28: memref<!tpu.dma_semaphore, #tpu.memory_space<semaphore_mem>>, %arg29: memref<!tpu.dma_semaphore, #tpu.memory_space<semaphore_mem>>, %arg30: memref<!tpu.dma_semaphore, #tpu.memory_space<semaphore_mem>>, %arg31: memref<!tpu.dma_semaphore, #tpu.memory_space<semaphore_mem>>) attributes {dimension_semantics = [#tpu.dimension_semantics<core_parallel>, #tpu.dimension_semantics<subcore_parallel>], iteration_bounds = array<i64: 2, 16>, scalar_prefetch = 0 : i64, scratch_operands = 27 : i64, tpu.core_type = #tpu.core_type<sc_vector_subcore>, window_params = [{transform_indices = #map}, {transform_indices = #map}, {transform_indices = #map}]} {
    %mul3A = arith.constant 2 : i32
    %mul3A_0 = arith.muli %arg1, %mul3A : i32
    %add3A = arith.addi %mul3A_0, %arg0 : i32
    %mul3A_1 = arith.constant 1024 : i32
    %mul3A_2 = arith.muli %add3A, %mul3A_1 : i32
    %mul3A_3 = arith.constant 65536 : i32
    %mul3A_4 = arith.muli %arg1, %mul3A_3 : i32
    %mul3A_5 = arith.constant 65536 : i32
    %mul3A_6 = arith.muli %arg1, %mul3A_5 : i32
    "tpu.region"() ({
      %run_scoped3A = tpu.sem_alloc : memref<!tpu.dma_semaphore, #tpu.memory_space<semaphore_mem>>
      %dma_start3A_92 = tpu.memref_slice %arg5[%mul3A_6] : memref<1048576xf32, #tpu.memory_space<vmem_shared>> -> memref<65536xf32, #tpu.memory_space<vmem_shared>>
      %dma_start3A_93 = tpu.memref_slice %arg3[%mul3A_4] : memref<1048576xf32, #tpu.memory_space<hbm>> -> memref<65536xf32, #tpu.memory_space<hbm>>
      tpu.enqueue_dma source(%dma_start3A_93 : memref<65536xf32, #tpu.memory_space<hbm>>) target(%dma_start3A_92 : memref<65536xf32, #tpu.memory_space<vmem_shared>>) target_semaphore(%run_scoped3A : memref<!tpu.dma_semaphore, #tpu.memory_space<semaphore_mem>>)
      %dma_wait3A_94 = tpu.memref_slice %arg5[%mul3A_6] : memref<1048576xf32, #tpu.memory_space<vmem_shared>> -> memref<65536xf32, #tpu.memory_space<vmem_shared>>
      %dma_wait3A_95 = tpu.memref_slice %arg3[%mul3A_4] : memref<1048576xf32, #tpu.memory_space<hbm>> -> memref<65536xf32, #tpu.memory_space<hbm>>
      tpu.wait_dma2 semaphore(%run_scoped3A : memref<!tpu.dma_semaphore, #tpu.memory_space<semaphore_mem>>) src(%dma_wait3A_95 : memref<65536xf32, #tpu.memory_space<hbm>>) dst(%dma_wait3A_94 : memref<65536xf32, #tpu.memory_space<vmem_shared>>)
      tpu.yield
    }) : () -> ()
    %barrier3A = arith.constant 0 : index
    tpu.barrier barrier_id(%barrier3A)
    %add3A_7 = arith.constant 0 : i32
    %add3A_8 = arith.addi %add3A_7, %mul3A_2 : i32
    %dma_start3A = tpu.memref_slice %arg2[%add3A_8] : memref<6553600xf32, #tpu.memory_space<hbm>> -> memref<1024xf32, #tpu.memory_space<hbm>>
    %dma_start3A_9 = tpu.memref_slice %arg2[%add3A_8] : memref<6553600xf32, #tpu.memory_space<hbm>> -> memref<1024xf32, #tpu.memory_space<hbm>>
    tpu.enqueue_dma source(%dma_start3A_9 : memref<1024xf32, #tpu.memory_space<hbm>>) target(%arg6 : memref<1024xf32, #tpu.memory_space<vmem>>) target_semaphore(%arg26 : memref<!tpu.dma_semaphore, #tpu.memory_space<semaphore_mem>>)
    %scan3A = arith.constant 0 : i32
    %scan3A_10 = arith.constant 0 : i32
    %scan3A_11 = arith.constant 100 : i32
    %scan3A_12 = arith.addi %scan3A_10, %scan3A_11 : i32
    %scan3A_13 = arith.constant 1 : i32
    scf.for %scan3A_92 = %scan3A_10 to %scan3A_12 step %scan3A_13  : i32 {
      %mul3A_93 = arith.constant 2 : i32
      %mul3A_94 = arith.muli %scan3A_92, %mul3A_93 : i32
      %add3A_95 = arith.constant 0 : i32
      %add3A_96 = arith.addi %mul3A_94, %add3A_95 : i32
      %add3A_97 = arith.constant 1 : i32
      %add3A_98 = arith.addi %add3A_96, %add3A_97 : i32
      %mul3A_99 = arith.constant 32768 : i32
      %mul3A_100 = arith.muli %add3A_98, %mul3A_99 : i32
      %add3A_101 = arith.addi %mul3A_100, %mul3A_2 : i32
      %dma_start3A_102 = tpu.memref_slice %arg2[%add3A_101] : memref<6553600xf32, #tpu.memory_space<hbm>> -> memref<1024xf32, #tpu.memory_space<hbm>>
      %dma_start3A_103 = tpu.memref_slice %arg2[%add3A_101] : memref<6553600xf32, #tpu.memory_space<hbm>> -> memref<1024xf32, #tpu.memory_space<hbm>>
      tpu.enqueue_dma source(%dma_start3A_103 : memref<1024xf32, #tpu.memory_space<hbm>>) target(%arg7 : memref<1024xf32, #tpu.memory_space<vmem>>) target_semaphore(%arg27 : memref<!tpu.dma_semaphore, #tpu.memory_space<semaphore_mem>>)
      %mul3A_104 = arith.constant 32768 : i32
      %mul3A_105 = arith.muli %add3A_96, %mul3A_104 : i32
      %add3A_106 = arith.addi %mul3A_105, %mul3A_2 : i32
      %dma_wait3A_107 = tpu.memref_slice %arg2[%add3A_106] : memref<6553600xf32, #tpu.memory_space<hbm>> -> memref<1024xf32, #tpu.memory_space<hbm>>
      %dma_wait3A_108 = tpu.memref_slice %arg2[%add3A_106] : memref<6553600xf32, #tpu.memory_space<hbm>> -> memref<1024xf32, #tpu.memory_space<hbm>>
      tpu.wait_dma2 semaphore(%arg26 : memref<!tpu.dma_semaphore, #tpu.memory_space<semaphore_mem>>) src(%dma_wait3A_108 : memref<1024xf32, #tpu.memory_space<hbm>>) dst(%arg6 : memref<1024xf32, #tpu.memory_space<vmem>>)
      %scan3A_109 = arith.constant 0 : i32
      %scan3A_110 = arith.constant 0 : i32
      %scan3A_111 = arith.constant 16 : i32
      %scan3A_112 = arith.addi %scan3A_110, %scan3A_111 : i32
      %scan3A_113 = arith.constant 1 : i32
      scf.for %scan3A_323 = %scan3A_110 to %scan3A_112 step %scan3A_113  : i32 {
        %mul3A_324 = arith.constant 2 : i32
        %mul3A_325 = arith.muli %scan3A_323, %mul3A_324 : i32
        %add3A_326 = arith.constant 0 : i32
        %add3A_327 = arith.addi %mul3A_325, %add3A_326 : i32
        %mul3A_328 = arith.constant 16 : i32
        %mul3A_329 = arith.muli %add3A_327, %mul3A_328 : i32
        %jit3A = arith.constant 8 : i32
        %div3A = arith.divsi %add3A_327, %jit3A : i32
        %sign3A = arith.constant 0 : i32
        %sign3A_330 = arith.cmpi sgt, %add3A_327, %sign3A : i32
        %sign3A_331 = arith.extui %sign3A_330 : i1 to i32
        %sign3A_332 = arith.constant 0 : i32
        %sign3A_333 = arith.cmpi slt, %add3A_327, %sign3A_332 : i32
        %sign3A_334 = arith.extui %sign3A_333 : i1 to i32
        %sign3A_335 = arith.subi %sign3A_331, %sign3A_334 : i32
        %sign3A_336 = arith.constant 0 : i32
        %sign3A_337 = arith.cmpi sgt, %jit3A, %sign3A_336 : i32
        %sign3A_338 = arith.extui %sign3A_337 : i1 to i32
        %sign3A_339 = arith.constant 0 : i32
        %sign3A_340 = arith.cmpi slt, %jit3A, %sign3A_339 : i32
        %sign3A_341 = arith.extui %sign3A_340 : i1 to i32
        %sign3A_342 = arith.subi %sign3A_338, %sign3A_341 : i32
        %ne3A = arith.cmpi ne, %sign3A_335, %sign3A_342 : i32
        %rem3A = arith.remsi %add3A_327, %jit3A : i32
        %ne3A_343 = arith.constant 0 : i32
        %ne3A_344 = arith.cmpi ne, %rem3A, %ne3A_343 : i32
        %and3A = arith.andi %ne3A, %ne3A_344 : i1
        %sub3A_345 = arith.constant 1 : i32
        %sub3A_346 = arith.subi %div3A, %sub3A_345 : i32
        %select_n3A = arith.select %and3A, %sub3A_346, %div3A : i32
        %mul3A_347 = arith.constant 256 : i32
        %mul3A_348 = arith.muli %select_n3A, %mul3A_347 : i32
        %jit3A_349 = arith.constant 8 : i32
        %eq3A = arith.constant 0 : i32
        %eq3A_350 = arith.cmpi eq, %jit3A_349, %eq3A : i32
        %jit3A_351 = arith.constant 1 : i32
        %select_n3A_352 = arith.select %eq3A_350, %jit3A_351, %jit3A_349 : i32
        %rem3A_353 = arith.remsi %add3A_327, %select_n3A_352 : i32
        %ne3A_354 = arith.constant 0 : i32
        %ne3A_355 = arith.cmpi ne, %rem3A_353, %ne3A_354 : i32
        %lt3A_356 = arith.constant 0 : i32
        %lt3A_357 = arith.cmpi slt, %rem3A_353, %lt3A_356 : i32
        %lt3A_358 = arith.constant 0 : i32
        %lt3A_359 = arith.cmpi slt, %select_n3A_352, %lt3A_358 : i32
        %ne3A_360 = arith.xori %lt3A_357, %lt3A_359 : i1
        %and3A_361 = arith.andi %ne3A_360, %ne3A_355 : i1
        %add3A_362 = arith.addi %rem3A_353, %select_n3A_352 : i32
        %select_n3A_363 = arith.select %and3A_361, %add3A_362, %rem3A_353 : i32
        %mul3A_364 = arith.constant 16 : i32
        %mul3A_365 = arith.muli %select_n3A_363, %mul3A_364 : i32
        %add3A_366 = arith.addi %mul3A_348, %mul3A_365 : i32
        %get3A = arith.index_cast %add3A_366 : i32 to index
        %get3A_367 = tpu.vector_load %arg6[%get3A] {strides = array<i32>} : memref<1024xf32, #tpu.memory_space<vmem>>, vector<16xf32>,
        %mul3A_368 = arith.constant 1.023000e+03 : f32
        %mul3A_369 = vector.broadcast %mul3A_368 : f32 to vector<16xf32>
        %mul3A_370 = arith.mulf %get3A_367, %mul3A_369 : vector<16xf32>
        %add3A_371 = arith.constant 128 : i32
        %add3A_372 = arith.addi %add3A_366, %add3A_371 : i32
        %get3A_373 = arith.index_cast %add3A_372 : i32 to index
        %get3A_374 = tpu.vector_load %arg6[%get3A_373] {strides = array<i32>} : memref<1024xf32, #tpu.memory_space<vmem>>, vector<16xf32>,
        %mul3A_375 = arith.constant 1.023000e+03 : f32
        %mul3A_376 = vector.broadcast %mul3A_375 : f32 to vector<16xf32>
        %mul3A_377 = arith.mulf %get3A_374, %mul3A_376 : vector<16xf32>
        %convert_element_type3A_378 = arith.fptosi %mul3A_370 : vector<16xf32> to vector<16xi32>
        %convert_element_type3A_379 = arith.fptosi %mul3A_377 : vector<16xf32> to vector<16xi32>
        %convert_element_type3A_380 = arith.sitofp %convert_element_type3A_378 : vector<16xi32> to vector<16xf32>
        %sub3A_381 = arith.subf %mul3A_370, %convert_element_type3A_380 : vector<16xf32>
        %convert_element_type3A_382 = arith.sitofp %convert_element_type3A_379 : vector<16xi32> to vector<16xf32>
        %sub3A_383 = arith.subf %mul3A_377, %convert_element_type3A_382 : vector<16xf32>
        %shift_left3A = arith.constant 10 : i32
        %shift_left3A_384 = vector.broadcast %shift_left3A : i32 to vector<16xi32>
        %shift_left3A_385 = arith.shli %convert_element_type3A_379, %shift_left3A_384 : vector<16xi32>
        %add3A_386 = arith.addi %shift_left3A_385, %convert_element_type3A_378 : vector<16xi32>
        %swap3A = arith.index_cast %mul3A_329 : i32 to index
        %swap3A_387 = tpu.vector_load %arg8[%swap3A] {strides = array<i32>} : memref<512xi32, #tpu.memory_space<vmem>>, vector<16xi32>,
        tpu.vector_store %arg8[%swap3A], %add3A_386 {strides = array<i32>} : memref<512xi32, #tpu.memory_space<vmem>>, vector<16xi32>,
        %add3A_388 = arith.constant 1 : i32
        %add3A_389 = vector.broadcast %add3A_388 : i32 to vector<16xi32>
        %add3A_390 = arith.addi %add3A_386, %add3A_389 : vector<16xi32>
        %swap3A_391 = arith.index_cast %mul3A_329 : i32 to index
        %swap3A_392 = tpu.vector_load %arg9[%swap3A_391] {strides = array<i32>} : memref<512xi32, #tpu.memory_space<vmem>>, vector<16xi32>,
        tpu.vector_store %arg9[%swap3A_391], %add3A_390 {strides = array<i32>} : memref<512xi32, #tpu.memory_space<vmem>>, vector<16xi32>,
        %swap3A_393 = arith.index_cast %mul3A_329 : i32 to index
        %swap3A_394 = tpu.vector_load %arg12[%swap3A_393] {strides = array<i32>} : memref<512xf32, #tpu.memory_space<vmem>>, vector<16xf32>,
        tpu.vector_store %arg12[%swap3A_393], %sub3A_381 {strides = array<i32>} : memref<512xf32, #tpu.memory_space<vmem>>, vector<16xf32>,
        %swap3A_395 = arith.index_cast %mul3A_329 : i32 to index
        %swap3A_396 = tpu.vector_load %arg13[%swap3A_395] {strides = array<i32>} : memref<512xf32, #tpu.memory_space<vmem>>, vector<16xf32>,
        tpu.vector_store %arg13[%swap3A_395], %sub3A_383 {strides = array<i32>} : memref<512xf32, #tpu.memory_space<vmem>>, vector<16xf32>,
        %mul3A_397 = arith.constant 2 : i32
        %mul3A_398 = arith.muli %scan3A_323, %mul3A_397 : i32
        %add3A_399 = arith.constant 1 : i32
        %add3A_400 = arith.addi %mul3A_398, %add3A_399 : i32
        %mul3A_401 = arith.constant 16 : i32
        %mul3A_402 = arith.muli %add3A_400, %mul3A_401 : i32
        %jit3A_403 = arith.constant 8 : i32
        %div3A_404 = arith.divsi %add3A_400, %jit3A_403 : i32
        %sign3A_405 = arith.constant 0 : i32
        %sign3A_406 = arith.cmpi sgt, %add3A_400, %sign3A_405 : i32
        %sign3A_407 = arith.extui %sign3A_406 : i1 to i32
        %sign3A_408 = arith.constant 0 : i32
        %sign3A_409 = arith.cmpi slt, %add3A_400, %sign3A_408 : i32
        %sign3A_410 = arith.extui %sign3A_409 : i1 to i32
        %sign3A_411 = arith.subi %sign3A_407, %sign3A_410 : i32
        %sign3A_412 = arith.constant 0 : i32
        %sign3A_413 = arith.cmpi sgt, %jit3A_403, %sign3A_412 : i32
        %sign3A_414 = arith.extui %sign3A_413 : i1 to i32
        %sign3A_415 = arith.constant 0 : i32
        %sign3A_416 = arith.cmpi slt, %jit3A_403, %sign3A_415 : i32
        %sign3A_417 = arith.extui %sign3A_416 : i1 to i32
        %sign3A_418 = arith.subi %sign3A_414, %sign3A_417 : i32
        %ne3A_419 = arith.cmpi ne, %sign3A_411, %sign3A_418 : i32
        %rem3A_420 = arith.remsi %add3A_400, %jit3A_403 : i32
        %ne3A_421 = arith.constant 0 : i32
        %ne3A_422 = arith.cmpi ne, %rem3A_420, %ne3A_421 : i32
        %and3A_423 = arith.andi %ne3A_419, %ne3A_422 : i1
        %sub3A_424 = arith.constant 1 : i32
        %sub3A_425 = arith.subi %div3A_404, %sub3A_424 : i32
        %select_n3A_426 = arith.select %and3A_423, %sub3A_425, %div3A_404 : i32
        %mul3A_427 = arith.constant 256 : i32
        %mul3A_428 = arith.muli %select_n3A_426, %mul3A_427 : i32
        %jit3A_429 = arith.constant 8 : i32
        %eq3A_430 = arith.constant 0 : i32
        %eq3A_431 = arith.cmpi eq, %jit3A_429, %eq3A_430 : i32
        %jit3A_432 = arith.constant 1 : i32
        %select_n3A_433 = arith.select %eq3A_431, %jit3A_432, %jit3A_429 : i32
        %rem3A_434 = arith.remsi %add3A_400, %select_n3A_433 : i32
        %ne3A_435 = arith.constant 0 : i32
        %ne3A_436 = arith.cmpi ne, %rem3A_434, %ne3A_435 : i32
        %lt3A_437 = arith.constant 0 : i32
        %lt3A_438 = arith.cmpi slt, %rem3A_434, %lt3A_437 : i32
        %lt3A_439 = arith.constant 0 : i32
        %lt3A_440 = arith.cmpi slt, %select_n3A_433, %lt3A_439 : i32
        %ne3A_441 = arith.xori %lt3A_438, %lt3A_440 : i1
        %and3A_442 = arith.andi %ne3A_441, %ne3A_436 : i1
        %add3A_443 = arith.addi %rem3A_434, %select_n3A_433 : i32
        %select_n3A_444 = arith.select %and3A_442, %add3A_443, %rem3A_434 : i32
        %mul3A_445 = arith.constant 16 : i32
        %mul3A_446 = arith.muli %select_n3A_444, %mul3A_445 : i32
        %add3A_447 = arith.addi %mul3A_428, %mul3A_446 : i32
        %get3A_448 = arith.index_cast %add3A_447 : i32 to index
        %get3A_449 = tpu.vector_load %arg6[%get3A_448] {strides = array<i32>} : memref<1024xf32, #tpu.memory_space<vmem>>, vector<16xf32>,
        %mul3A_450 = arith.constant 1.023000e+03 : f32
        %mul3A_451 = vector.broadcast %mul3A_450 : f32 to vector<16xf32>
        %mul3A_452 = arith.mulf %get3A_449, %mul3A_451 : vector<16xf32>
        %add3A_453 = arith.constant 128 : i32
        %add3A_454 = arith.addi %add3A_447, %add3A_453 : i32
        %get3A_455 = arith.index_cast %add3A_454 : i32 to index
        %get3A_456 = tpu.vector_load %arg6[%get3A_455] {strides = array<i32>} : memref<1024xf32, #tpu.memory_space<vmem>>, vector<16xf32>,
        %mul3A_457 = arith.constant 1.023000e+03 : f32
        %mul3A_458 = vector.broadcast %mul3A_457 : f32 to vector<16xf32>
        %mul3A_459 = arith.mulf %get3A_456, %mul3A_458 : vector<16xf32>
        %convert_element_type3A_460 = arith.fptosi %mul3A_452 : vector<16xf32> to vector<16xi32>
        %convert_element_type3A_461 = arith.fptosi %mul3A_459 : vector<16xf32> to vector<16xi32>
        %convert_element_type3A_462 = arith.sitofp %convert_element_type3A_460 : vector<16xi32> to vector<16xf32>
        %sub3A_463 = arith.subf %mul3A_452, %convert_element_type3A_462 : vector<16xf32>
        %convert_element_type3A_464 = arith.sitofp %convert_element_type3A_461 : vector<16xi32> to vector<16xf32>
        %sub3A_465 = arith.subf %mul3A_459, %convert_element_type3A_464 : vector<16xf32>
        %shift_left3A_466 = arith.constant 10 : i32
        %shift_left3A_467 = vector.broadcast %shift_left3A_466 : i32 to vector<16xi32>
        %shift_left3A_468 = arith.shli %convert_element_type3A_461, %shift_left3A_467 : vector<16xi32>
        %add3A_469 = arith.addi %shift_left3A_468, %convert_element_type3A_460 : vector<16xi32>
        %swap3A_470 = arith.index_cast %mul3A_402 : i32 to index
        %swap3A_471 = tpu.vector_load %arg8[%swap3A_470] {strides = array<i32>} : memref<512xi32, #tpu.memory_space<vmem>>, vector<16xi32>,
        tpu.vector_store %arg8[%swap3A_470], %add3A_469 {strides = array<i32>} : memref<512xi32, #tpu.memory_space<vmem>>, vector<16xi32>,
        %add3A_472 = arith.constant 1 : i32
        %add3A_473 = vector.broadcast %add3A_472 : i32 to vector<16xi32>
        %add3A_474 = arith.addi %add3A_469, %add3A_473 : vector<16xi32>
        %swap3A_475 = arith.index_cast %mul3A_402 : i32 to index
        %swap3A_476 = tpu.vector_load %arg9[%swap3A_475] {strides = array<i32>} : memref<512xi32, #tpu.memory_space<vmem>>, vector<16xi32>,
        tpu.vector_store %arg9[%swap3A_475], %add3A_474 {strides = array<i32>} : memref<512xi32, #tpu.memory_space<vmem>>, vector<16xi32>,
        %swap3A_477 = arith.index_cast %mul3A_402 : i32 to index
        %swap3A_478 = tpu.vector_load %arg12[%swap3A_477] {strides = array<i32>} : memref<512xf32, #tpu.memory_space<vmem>>, vector<16xf32>,
        tpu.vector_store %arg12[%swap3A_477], %sub3A_463 {strides = array<i32>} : memref<512xf32, #tpu.memory_space<vmem>>, vector<16xf32>,
        %swap3A_479 = arith.index_cast %mul3A_402 : i32 to index
        %swap3A_480 = tpu.vector_load %arg13[%swap3A_479] {strides = array<i32>} : memref<512xf32, #tpu.memory_space<vmem>>, vector<16xf32>,
        tpu.vector_store %arg13[%swap3A_479], %sub3A_465 {strides = array<i32>} : memref<512xf32, #tpu.memory_space<vmem>>, vector<16xf32>,
      }
      %scan3A_114 = arith.constant 16 : i32
      %dma_start3A_115 = arith.constant 0 : i32
      %dma_start3A_116 = tpu.memref_slice %arg16[%dma_start3A_115] : memref<512xf32, #tpu.memory_space<vmem>> -> memref<256xf32, #tpu.memory_space<vmem>>
      %dma_start3A_117 = arith.constant 0 : i32
      %dma_start3A_118 = tpu.memref_slice %arg8[%dma_start3A_117] : memref<512xi32, #tpu.memory_space<vmem>> -> memref<256xi32, #tpu.memory_space<vmem>>
      %dma_start3A_119 = arith.constant 0 : i32
      %dma_start3A_120 = tpu.memref_slice %arg5[%dma_start3A_119] : memref<1048576xf32, #tpu.memory_space<vmem_shared>> -> memref<1048576xf32, #tpu.memory_space<vmem_shared>>
      tpu.enqueue_indirect_dma source(%dma_start3A_120 : memref<1048576xf32, #tpu.memory_space<vmem_shared>>) target(%dma_start3A_116 : memref<256xf32, #tpu.memory_space<vmem>>) offsets(%dma_start3A_118 : memref<256xi32, #tpu.memory_space<vmem>>) semaphore(%arg28 : memref<!tpu.dma_semaphore, #tpu.memory_space<semaphore_mem>>)
      %dma_start3A_121 = arith.constant 256 : i32
      %dma_start3A_122 = tpu.memref_slice %arg16[%dma_start3A_121] : memref<512xf32, #tpu.memory_space<vmem>> -> memref<256xf32, #tpu.memory_space<vmem>>
      %dma_start3A_123 = arith.constant 256 : i32
      %dma_start3A_124 = tpu.memref_slice %arg8[%dma_start3A_123] : memref<512xi32, #tpu.memory_space<vmem>> -> memref<256xi32, #tpu.memory_space<vmem>>
      %dma_start3A_125 = arith.constant 0 : i32
      %dma_start3A_126 = tpu.memref_slice %arg5[%dma_start3A_125] : memref<1048576xf32, #tpu.memory_space<vmem_shared>> -> memref<1048576xf32, #tpu.memory_space<vmem_shared>>
      tpu.enqueue_indirect_dma source(%dma_start3A_126 : memref<1048576xf32, #tpu.memory_space<vmem_shared>>) target(%dma_start3A_122 : memref<256xf32, #tpu.memory_space<vmem>>) offsets(%dma_start3A_124 : memref<256xi32, #tpu.memory_space<vmem>>) semaphore(%arg28 : memref<!tpu.dma_semaphore, #tpu.memory_space<semaphore_mem>>)
      %dma_start3A_127 = arith.constant 0 : i32
      %dma_start3A_128 = tpu.memref_slice %arg17[%dma_start3A_127] : memref<512xf32, #tpu.memory_space<vmem>> -> memref<256xf32, #tpu.memory_space<vmem>>
      %dma_start3A_129 = arith.constant 0 : i32
      %dma_start3A_130 = tpu.memref_slice %arg9[%dma_start3A_129] : memref<512xi32, #tpu.memory_space<vmem>> -> memref<256xi32, #tpu.memory_space<vmem>>
      %dma_start3A_131 = arith.constant 0 : i32
      %dma_start3A_132 = tpu.memref_slice %arg5[%dma_start3A_131] : memref<1048576xf32, #tpu.memory_space<vmem_shared>> -> memref<1048576xf32, #tpu.memory_space<vmem_shared>>
      tpu.enqueue_indirect_dma source(%dma_start3A_132 : memref<1048576xf32, #tpu.memory_space<vmem_shared>>) target(%dma_start3A_128 : memref<256xf32, #tpu.memory_space<vmem>>) offsets(%dma_start3A_130 : memref<256xi32, #tpu.memory_space<vmem>>) semaphore(%arg28 : memref<!tpu.dma_semaphore, #tpu.memory_space<semaphore_mem>>)
      %dma_start3A_133 = arith.constant 256 : i32
      %dma_start3A_134 = tpu.memref_slice %arg17[%dma_start3A_133] : memref<512xf32, #tpu.memory_space<vmem>> -> memref<256xf32, #tpu.memory_space<vmem>>
      %dma_start3A_135 = arith.constant 256 : i32
      %dma_start3A_136 = tpu.memref_slice %arg9[%dma_start3A_135] : memref<512xi32, #tpu.memory_space<vmem>> -> memref<256xi32, #tpu.memory_space<vmem>>
      %dma_start3A_137 = arith.constant 0 : i32
      %dma_start3A_138 = tpu.memref_slice %arg5[%dma_start3A_137] : memref<1048576xf32, #tpu.memory_space<vmem_shared>> -> memref<1048576xf32, #tpu.memory_space<vmem_shared>>
      tpu.enqueue_indirect_dma source(%dma_start3A_138 : memref<1048576xf32, #tpu.memory_space<vmem_shared>>) target(%dma_start3A_134 : memref<256xf32, #tpu.memory_space<vmem>>) offsets(%dma_start3A_136 : memref<256xi32, #tpu.memory_space<vmem>>) semaphore(%arg28 : memref<!tpu.dma_semaphore, #tpu.memory_space<semaphore_mem>>)
      %dma_start3A_139 = arith.constant 0 : i32
      %dma_start3A_140 = tpu.memref_slice %arg18[%dma_start3A_139] : memref<512xf32, #tpu.memory_space<vmem>> -> memref<256xf32, #tpu.memory_space<vmem>>
      %dma_start3A_141 = arith.constant 0 : i32
      %dma_start3A_142 = tpu.memref_slice %arg8[%dma_start3A_141] : memref<512xi32, #tpu.memory_space<vmem>> -> memref<256xi32, #tpu.memory_space<vmem>>
      %dma_start3A_143 = arith.constant 1024 : i32
      %dma_start3A_144 = tpu.memref_slice %arg5[%dma_start3A_143] : memref<1048576xf32, #tpu.memory_space<vmem_shared>> -> memref<1047552xf32, #tpu.memory_space<vmem_shared>>
      %dma_start3A_145 = arith.constant 0 : i32
      %dma_start3A_146 = tpu.memref_slice %dma_start3A_144[%dma_start3A_145] : memref<1047552xf32, #tpu.memory_space<vmem_shared>> -> memref<1047552xf32, #tpu.memory_space<vmem_shared>>
      tpu.enqueue_indirect_dma source(%dma_start3A_146 : memref<1047552xf32, #tpu.memory_space<vmem_shared>>) target(%dma_start3A_140 : memref<256xf32, #tpu.memory_space<vmem>>) offsets(%dma_start3A_142 : memref<256xi32, #tpu.memory_space<vmem>>) semaphore(%arg28 : memref<!tpu.dma_semaphore, #tpu.memory_space<semaphore_mem>>)
      %dma_start3A_147 = arith.constant 256 : i32
      %dma_start3A_148 = tpu.memref_slice %arg18[%dma_start3A_147] : memref<512xf32, #tpu.memory_space<vmem>> -> memref<256xf32, #tpu.memory_space<vmem>>
      %dma_start3A_149 = arith.constant 256 : i32
      %dma_start3A_150 = tpu.memref_slice %arg8[%dma_start3A_149] : memref<512xi32, #tpu.memory_space<vmem>> -> memref<256xi32, #tpu.memory_space<vmem>>
      %dma_start3A_151 = arith.constant 1024 : i32
      %dma_start3A_152 = tpu.memref_slice %arg5[%dma_start3A_151] : memref<1048576xf32, #tpu.memory_space<vmem_shared>> -> memref<1047552xf32, #tpu.memory_space<vmem_shared>>
      %dma_start3A_153 = arith.constant 0 : i32
      %dma_start3A_154 = tpu.memref_slice %dma_start3A_152[%dma_start3A_153] : memref<1047552xf32, #tpu.memory_space<vmem_shared>> -> memref<1047552xf32, #tpu.memory_space<vmem_shared>>
      tpu.enqueue_indirect_dma source(%dma_start3A_154 : memref<1047552xf32, #tpu.memory_space<vmem_shared>>) target(%dma_start3A_148 : memref<256xf32, #tpu.memory_space<vmem>>) offsets(%dma_start3A_150 : memref<256xi32, #tpu.memory_space<vmem>>) semaphore(%arg28 : memref<!tpu.dma_semaphore, #tpu.memory_space<semaphore_mem>>)
      %dma_start3A_155 = arith.constant 0 : i32
      %dma_start3A_156 = tpu.memref_slice %arg19[%dma_start3A_155] : memref<512xf32, #tpu.memory_space<vmem>> -> memref<256xf32, #tpu.memory_space<vmem>>
      %dma_start3A_157 = arith.constant 0 : i32
      %dma_start3A_158 = tpu.memref_slice %arg9[%dma_start3A_157] : memref<512xi32, #tpu.memory_space<vmem>> -> memref<256xi32, #tpu.memory_space<vmem>>
      %dma_start3A_159 = arith.constant 1024 : i32
      %dma_start3A_160 = tpu.memref_slice %arg5[%dma_start3A_159] : memref<1048576xf32, #tpu.memory_space<vmem_shared>> -> memref<1047552xf32, #tpu.memory_space<vmem_shared>>
      %dma_start3A_161 = arith.constant 0 : i32
      %dma_start3A_162 = tpu.memref_slice %dma_start3A_160[%dma_start3A_161] : memref<1047552xf32, #tpu.memory_space<vmem_shared>> -> memref<1047552xf32, #tpu.memory_space<vmem_shared>>
      tpu.enqueue_indirect_dma source(%dma_start3A_162 : memref<1047552xf32, #tpu.memory_space<vmem_shared>>) target(%dma_start3A_156 : memref<256xf32, #tpu.memory_space<vmem>>) offsets(%dma_start3A_158 : memref<256xi32, #tpu.memory_space<vmem>>) semaphore(%arg28 : memref<!tpu.dma_semaphore, #tpu.memory_space<semaphore_mem>>)
      %dma_start3A_163 = arith.constant 256 : i32
      %dma_start3A_164 = tpu.memref_slice %arg19[%dma_start3A_163] : memref<512xf32, #tpu.memory_space<vmem>> -> memref<256xf32, #tpu.memory_space<vmem>>
      %dma_start3A_165 = arith.constant 256 : i32
      %dma_start3A_166 = tpu.memref_slice %arg9[%dma_start3A_165] : memref<512xi32, #tpu.memory_space<vmem>> -> memref<256xi32, #tpu.memory_space<vmem>>
      %dma_start3A_167 = arith.constant 1024 : i32
      %dma_start3A_168 = tpu.memref_slice %arg5[%dma_start3A_167] : memref<1048576xf32, #tpu.memory_space<vmem_shared>> -> memref<1047552xf32, #tpu.memory_space<vmem_shared>>
      %dma_start3A_169 = arith.constant 0 : i32
      %dma_start3A_170 = tpu.memref_slice %dma_start3A_168[%dma_start3A_169] : memref<1047552xf32, #tpu.memory_space<vmem_shared>> -> memref<1047552xf32, #tpu.memory_space<vmem_shared>>
      tpu.enqueue_indirect_dma source(%dma_start3A_170 : memref<1047552xf32, #tpu.memory_space<vmem_shared>>) target(%dma_start3A_164 : memref<256xf32, #tpu.memory_space<vmem>>) offsets(%dma_start3A_166 : memref<256xi32, #tpu.memory_space<vmem>>) semaphore(%arg28 : memref<!tpu.dma_semaphore, #tpu.memory_space<semaphore_mem>>)
      %ge3A = arith.constant 1 : i32
      %ge3A_171 = arith.cmpi sge, %add3A_96, %ge3A : i32
      %convert_element_type3A = arith.extui %ge3A_171 : i1 to i32
      %cond3A = arith.constant 0 : i32
      %cond3A_172 = arith.cmpi ne, %convert_element_type3A, %cond3A : i32
      scf.if %cond3A_172 {
        %dma_wait3A_323 = arith.constant 0 : i32
        %dma_wait3A_324 = tpu.memref_slice %arg20[%dma_wait3A_323] : memref<512xf32, #tpu.memory_space<vmem>> -> memref<256xf32, #tpu.memory_space<vmem>>
        %dma_wait3A_325 = arith.constant 0 : i32
        %dma_wait3A_326 = tpu.memref_slice %arg10[%dma_wait3A_325] : memref<512xi32, #tpu.memory_space<vmem>> -> memref<256xi32, #tpu.memory_space<vmem>>
        %dma_wait3A_327 = arith.constant 0 : i32
        %dma_wait3A_328 = tpu.memref_slice %arg5[%dma_wait3A_327] : memref<1048576xf32, #tpu.memory_space<vmem_shared>> -> memref<1048576xf32, #tpu.memory_space<vmem_shared>>
        tpu.wait_indirect_dma semaphore(%arg29 : memref<!tpu.dma_semaphore, #tpu.memory_space<semaphore_mem>>) src(%dma_wait3A_328 : memref<1048576xf32, #tpu.memory_space<vmem_shared>>) dst(%dma_wait3A_324 : memref<256xf32, #tpu.memory_space<vmem>>)
        %dma_wait3A_329 = arith.constant 256 : i32
        %dma_wait3A_330 = tpu.memref_slice %arg20[%dma_wait3A_329] : memref<512xf32, #tpu.memory_space<vmem>> -> memref<256xf32, #tpu.memory_space<vmem>>
        %dma_wait3A_331 = arith.constant 256 : i32
        %dma_wait3A_332 = tpu.memref_slice %arg10[%dma_wait3A_331] : memref<512xi32, #tpu.memory_space<vmem>> -> memref<256xi32, #tpu.memory_space<vmem>>
        %dma_wait3A_333 = arith.constant 0 : i32
        %dma_wait3A_334 = tpu.memref_slice %arg5[%dma_wait3A_333] : memref<1048576xf32, #tpu.memory_space<vmem_shared>> -> memref<1048576xf32, #tpu.memory_space<vmem_shared>>
        tpu.wait_indirect_dma semaphore(%arg29 : memref<!tpu.dma_semaphore, #tpu.memory_space<semaphore_mem>>) src(%dma_wait3A_334 : memref<1048576xf32, #tpu.memory_space<vmem_shared>>) dst(%dma_wait3A_330 : memref<256xf32, #tpu.memory_space<vmem>>)
        %dma_wait3A_335 = arith.constant 0 : i32
        %dma_wait3A_336 = tpu.memref_slice %arg21[%dma_wait3A_335] : memref<512xf32, #tpu.memory_space<vmem>> -> memref<256xf32, #tpu.memory_space<vmem>>
        %dma_wait3A_337 = arith.constant 0 : i32
        %dma_wait3A_338 = tpu.memref_slice %arg11[%dma_wait3A_337] : memref<512xi32, #tpu.memory_space<vmem>> -> memref<256xi32, #tpu.memory_space<vmem>>
        %dma_wait3A_339 = arith.constant 0 : i32
        %dma_wait3A_340 = tpu.memref_slice %arg5[%dma_wait3A_339] : memref<1048576xf32, #tpu.memory_space<vmem_shared>> -> memref<1048576xf32, #tpu.memory_space<vmem_shared>>
        tpu.wait_indirect_dma semaphore(%arg29 : memref<!tpu.dma_semaphore, #tpu.memory_space<semaphore_mem>>) src(%dma_wait3A_340 : memref<1048576xf32, #tpu.memory_space<vmem_shared>>) dst(%dma_wait3A_336 : memref<256xf32, #tpu.memory_space<vmem>>)
        %dma_wait3A_341 = arith.constant 256 : i32
        %dma_wait3A_342 = tpu.memref_slice %arg21[%dma_wait3A_341] : memref<512xf32, #tpu.memory_space<vmem>> -> memref<256xf32, #tpu.memory_space<vmem>>
        %dma_wait3A_343 = arith.constant 256 : i32
        %dma_wait3A_344 = tpu.memref_slice %arg11[%dma_wait3A_343] : memref<512xi32, #tpu.memory_space<vmem>> -> memref<256xi32, #tpu.memory_space<vmem>>
        %dma_wait3A_345 = arith.constant 0 : i32
        %dma_wait3A_346 = tpu.memref_slice %arg5[%dma_wait3A_345] : memref<1048576xf32, #tpu.memory_space<vmem_shared>> -> memref<1048576xf32, #tpu.memory_space<vmem_shared>>
        tpu.wait_indirect_dma semaphore(%arg29 : memref<!tpu.dma_semaphore, #tpu.memory_space<semaphore_mem>>) src(%dma_wait3A_346 : memref<1048576xf32, #tpu.memory_space<vmem_shared>>) dst(%dma_wait3A_342 : memref<256xf32, #tpu.memory_space<vmem>>)
        %dma_wait3A_347 = arith.constant 0 : i32
        %dma_wait3A_348 = tpu.memref_slice %arg22[%dma_wait3A_347] : memref<512xf32, #tpu.memory_space<vmem>> -> memref<256xf32, #tpu.memory_space<vmem>>
        %dma_wait3A_349 = arith.constant 0 : i32
        %dma_wait3A_350 = tpu.memref_slice %arg10[%dma_wait3A_349] : memref<512xi32, #tpu.memory_space<vmem>> -> memref<256xi32, #tpu.memory_space<vmem>>
        %dma_wait3A_351 = arith.constant 1024 : i32
        %dma_wait3A_352 = tpu.memref_slice %arg5[%dma_wait3A_351] : memref<1048576xf32, #tpu.memory_space<vmem_shared>> -> memref<1047552xf32, #tpu.memory_space<vmem_shared>>
        %dma_wait3A_353 = arith.constant 0 : i32
        %dma_wait3A_354 = tpu.memref_slice %dma_wait3A_352[%dma_wait3A_353] : memref<1047552xf32, #tpu.memory_space<vmem_shared>> -> memref<1047552xf32, #tpu.memory_space<vmem_shared>>
        tpu.wait_indirect_dma semaphore(%arg29 : memref<!tpu.dma_semaphore, #tpu.memory_space<semaphore_mem>>) src(%dma_wait3A_354 : memref<1047552xf32, #tpu.memory_space<vmem_shared>>) dst(%dma_wait3A_348 : memref<256xf32, #tpu.memory_space<vmem>>)
        %dma_wait3A_355 = arith.constant 256 : i32
        %dma_wait3A_356 = tpu.memref_slice %arg22[%dma_wait3A_355] : memref<512xf32, #tpu.memory_space<vmem>> -> memref<256xf32, #tpu.memory_space<vmem>>
        %dma_wait3A_357 = arith.constant 256 : i32
        %dma_wait3A_358 = tpu.memref_slice %arg10[%dma_wait3A_357] : memref<512xi32, #tpu.memory_space<vmem>> -> memref<256xi32, #tpu.memory_space<vmem>>
        %dma_wait3A_359 = arith.constant 1024 : i32
        %dma_wait3A_360 = tpu.memref_slice %arg5[%dma_wait3A_359] : memref<1048576xf32, #tpu.memory_space<vmem_shared>> -> memref<1047552xf32, #tpu.memory_space<vmem_shared>>
        %dma_wait3A_361 = arith.constant 0 : i32
        %dma_wait3A_362 = tpu.memref_slice %dma_wait3A_360[%dma_wait3A_361] : memref<1047552xf32, #tpu.memory_space<vmem_shared>> -> memref<1047552xf32, #tpu.memory_space<vmem_shared>>
        tpu.wait_indirect_dma semaphore(%arg29 : memref<!tpu.dma_semaphore, #tpu.memory_space<semaphore_mem>>) src(%dma_wait3A_362 : memref<1047552xf32, #tpu.memory_space<vmem_shared>>) dst(%dma_wait3A_356 : memref<256xf32, #tpu.memory_space<vmem>>)
        %dma_wait3A_363 = arith.constant 0 : i32
        %dma_wait3A_364 = tpu.memref_slice %arg23[%dma_wait3A_363] : memref<512xf32, #tpu.memory_space<vmem>> -> memref<256xf32, #tpu.memory_space<vmem>>
        %dma_wait3A_365 = arith.constant 0 : i32
        %dma_wait3A_366 = tpu.memref_slice %arg11[%dma_wait3A_365] : memref<512xi32, #tpu.memory_space<vmem>> -> memref<256xi32, #tpu.memory_space<vmem>>
        %dma_wait3A_367 = arith.constant 1024 : i32
        %dma_wait3A_368 = tpu.memref_slice %arg5[%dma_wait3A_367] : memref<1048576xf32, #tpu.memory_space<vmem_shared>> -> memref<1047552xf32, #tpu.memory_space<vmem_shared>>
        %dma_wait3A_369 = arith.constant 0 : i32
        %dma_wait3A_370 = tpu.memref_slice %dma_wait3A_368[%dma_wait3A_369] : memref<1047552xf32, #tpu.memory_space<vmem_shared>> -> memref<1047552xf32, #tpu.memory_space<vmem_shared>>
        tpu.wait_indirect_dma semaphore(%arg29 : memref<!tpu.dma_semaphore, #tpu.memory_space<semaphore_mem>>) src(%dma_wait3A_370 : memref<1047552xf32, #tpu.memory_space<vmem_shared>>) dst(%dma_wait3A_364 : memref<256xf32, #tpu.memory_space<vmem>>)
        %dma_wait3A_371 = arith.constant 256 : i32
        %dma_wait3A_372 = tpu.memref_slice %arg23[%dma_wait3A_371] : memref<512xf32, #tpu.memory_space<vmem>> -> memref<256xf32, #tpu.memory_space<vmem>>
        %dma_wait3A_373 = arith.constant 256 : i32
        %dma_wait3A_374 = tpu.memref_slice %arg11[%dma_wait3A_373] : memref<512xi32, #tpu.memory_space<vmem>> -> memref<256xi32, #tpu.memory_space<vmem>>
        %dma_wait3A_375 = arith.constant 1024 : i32
        %dma_wait3A_376 = tpu.memref_slice %arg5[%dma_wait3A_375] : memref<1048576xf32, #tpu.memory_space<vmem_shared>> -> memref<1047552xf32, #tpu.memory_space<vmem_shared>>
        %dma_wait3A_377 = arith.constant 0 : i32
        %dma_wait3A_378 = tpu.memref_slice %dma_wait3A_376[%dma_wait3A_377] : memref<1047552xf32, #tpu.memory_space<vmem_shared>> -> memref<1047552xf32, #tpu.memory_space<vmem_shared>>
        tpu.wait_indirect_dma semaphore(%arg29 : memref<!tpu.dma_semaphore, #tpu.memory_space<semaphore_mem>>) src(%dma_wait3A_378 : memref<1047552xf32, #tpu.memory_space<vmem_shared>>) dst(%dma_wait3A_372 : memref<256xf32, #tpu.memory_space<vmem>>)
        %ge3A_379 = arith.constant 3 : i32
        %ge3A_380 = arith.cmpi sge, %add3A_96, %ge3A_379 : i32
        %convert_element_type3A_381 = arith.extui %ge3A_380 : i1 to i32
        %cond3A_382 = arith.constant 0 : i32
        %cond3A_383 = arith.cmpi ne, %convert_element_type3A_381, %cond3A_382 : i32
        scf.if %cond3A_383 {
          %sub3A_397 = arith.constant 3 : i32
          %sub3A_398 = arith.subi %add3A_96, %sub3A_397 : i32
          %mul3A_399 = arith.constant 32768 : i32
          %mul3A_400 = arith.muli %sub3A_398, %mul3A_399 : i32
          %add3A_401 = arith.addi %mul3A_400, %mul3A_2 : i32
          %dma_wait3A_402 = tpu.memref_slice %arg4[%add3A_401] : memref<6553600xf32, #tpu.memory_space<hbm>> -> memref<1024xf32, #tpu.memory_space<hbm>>
          %dma_wait3A_403 = tpu.memref_slice %arg4[%add3A_401] : memref<6553600xf32, #tpu.memory_space<hbm>> -> memref<1024xf32, #tpu.memory_space<hbm>>
          tpu.wait_dma2 semaphore(%arg31 : memref<!tpu.dma_semaphore, #tpu.memory_space<semaphore_mem>>) src(%arg25 : memref<1024xf32, #tpu.memory_space<vmem>>) dst(%dma_wait3A_403 : memref<1024xf32, #tpu.memory_space<hbm>>)
        } else {
        }
        %scan3A_384 = arith.constant 0 : i32
        %scan3A_385 = arith.constant 0 : i32
        %scan3A_386 = arith.constant 16 : i32
        %scan3A_387 = arith.addi %scan3A_385, %scan3A_386 : i32
        %scan3A_388 = arith.constant 1 : i32
        scf.for %scan3A_397 = %scan3A_385 to %scan3A_387 step %scan3A_388  : i32 {
          %mul3A_398 = arith.constant 2 : i32
          %mul3A_399 = arith.muli %scan3A_397, %mul3A_398 : i32
          %add3A_400 = arith.constant 0 : i32
          %add3A_401 = arith.addi %mul3A_399, %add3A_400 : i32
          %mul3A_402 = arith.constant 16 : i32
          %mul3A_403 = arith.muli %add3A_401, %mul3A_402 : i32
          %get3A = arith.index_cast %mul3A_403 : i32 to index
          %get3A_404 = tpu.vector_load %arg14[%get3A] {strides = array<i32>} : memref<512xf32, #tpu.memory_space<vmem>>, vector<16xf32>,
          %get3A_405 = arith.index_cast %mul3A_403 : i32 to index
          %get3A_406 = tpu.vector_load %arg15[%get3A_405] {strides = array<i32>} : memref<512xf32, #tpu.memory_space<vmem>>, vector<16xf32>,
          %get3A_407 = arith.index_cast %mul3A_403 : i32 to index
          %get3A_408 = tpu.vector_load %arg20[%get3A_407] {strides = array<i32>} : memref<512xf32, #tpu.memory_space<vmem>>, vector<16xf32>,
          %bitcast3A = vector.bitcast %get3A_408 : vector<16xf32> to vector<16xi32>
          %get3A_409 = arith.index_cast %mul3A_403 : i32 to index
          %get3A_410 = tpu.vector_load %arg21[%get3A_409] {strides = array<i32>} : memref<512xf32, #tpu.memory_space<vmem>>, vector<16xf32>,
          %bitcast3A_411 = vector.bitcast %get3A_410 : vector<16xf32> to vector<16xi32>
          %get3A_412 = arith.index_cast %mul3A_403 : i32 to index
          %get3A_413 = tpu.vector_load %arg22[%get3A_412] {strides = array<i32>} : memref<512xf32, #tpu.memory_space<vmem>>, vector<16xf32>,
          %bitcast3A_414 = vector.bitcast %get3A_413 : vector<16xf32> to vector<16xi32>
          %get3A_415 = arith.index_cast %mul3A_403 : i32 to index
          %get3A_416 = tpu.vector_load %arg23[%get3A_415] {strides = array<i32>} : memref<512xf32, #tpu.memory_space<vmem>>, vector<16xf32>,
          %bitcast3A_417 = vector.bitcast %get3A_416 : vector<16xf32> to vector<16xi32>
          %shift_left3A = arith.constant 16 : i32
          %shift_left3A_418 = vector.broadcast %shift_left3A : i32 to vector<16xi32>
          %shift_left3A_419 = arith.shli %bitcast3A, %shift_left3A_418 : vector<16xi32>
          %bitcast3A_420 = vector.bitcast %shift_left3A_419 : vector<16xi32> to vector<16xf32>
          %shift_left3A_421 = arith.constant 16 : i32
          %shift_left3A_422 = vector.broadcast %shift_left3A_421 : i32 to vector<16xi32>
          %shift_left3A_423 = arith.shli %bitcast3A_411, %shift_left3A_422 : vector<16xi32>
          %bitcast3A_424 = vector.bitcast %shift_left3A_423 : vector<16xi32> to vector<16xf32>
          %shift_left3A_425 = arith.constant 16 : i32
          %shift_left3A_426 = vector.broadcast %shift_left3A_425 : i32 to vector<16xi32>
          %shift_left3A_427 = arith.shli %bitcast3A_414, %shift_left3A_426 : vector<16xi32>
          %bitcast3A_428 = vector.bitcast %shift_left3A_427 : vector<16xi32> to vector<16xf32>
          %shift_left3A_429 = arith.constant 16 : i32
          %shift_left3A_430 = vector.broadcast %shift_left3A_429 : i32 to vector<16xi32>
          %shift_left3A_431 = arith.shli %bitcast3A_417, %shift_left3A_430 : vector<16xi32>
          %bitcast3A_432 = vector.bitcast %shift_left3A_431 : vector<16xi32> to vector<16xf32>
          %and3A = arith.constant -65536 : i32
          %and3A_433 = vector.broadcast %and3A : i32 to vector<16xi32>
          %and3A_434 = arith.andi %bitcast3A, %and3A_433 : vector<16xi32>
          %bitcast3A_435 = vector.bitcast %and3A_434 : vector<16xi32> to vector<16xf32>
          %and3A_436 = arith.constant -65536 : i32
          %and3A_437 = vector.broadcast %and3A_436 : i32 to vector<16xi32>
          %and3A_438 = arith.andi %bitcast3A_411, %and3A_437 : vector<16xi32>
          %bitcast3A_439 = vector.bitcast %and3A_438 : vector<16xi32> to vector<16xf32>
          %and3A_440 = arith.constant -65536 : i32
          %and3A_441 = vector.broadcast %and3A_440 : i32 to vector<16xi32>
          %and3A_442 = arith.andi %bitcast3A_414, %and3A_441 : vector<16xi32>
          %bitcast3A_443 = vector.bitcast %and3A_442 : vector<16xi32> to vector<16xf32>
          %and3A_444 = arith.constant -65536 : i32
          %and3A_445 = vector.broadcast %and3A_444 : i32 to vector<16xi32>
          %and3A_446 = arith.andi %bitcast3A_417, %and3A_445 : vector<16xi32>
          %bitcast3A_447 = vector.bitcast %and3A_446 : vector<16xi32> to vector<16xf32>
          %sub3A_448 = arith.subf %bitcast3A_424, %bitcast3A_420 : vector<16xf32>
          %mul3A_449 = arith.mulf %get3A_404, %sub3A_448 : vector<16xf32>
          %add3A_450 = arith.addf %bitcast3A_420, %mul3A_449 : vector<16xf32>
          %sub3A_451 = arith.subf %bitcast3A_432, %bitcast3A_428 : vector<16xf32>
          %mul3A_452 = arith.mulf %get3A_404, %sub3A_451 : vector<16xf32>
          %add3A_453 = arith.addf %bitcast3A_428, %mul3A_452 : vector<16xf32>
          %sub3A_454 = arith.subf %bitcast3A_439, %bitcast3A_435 : vector<16xf32>
          %mul3A_455 = arith.mulf %get3A_404, %sub3A_454 : vector<16xf32>
          %add3A_456 = arith.addf %bitcast3A_435, %mul3A_455 : vector<16xf32>
          %sub3A_457 = arith.subf %bitcast3A_447, %bitcast3A_443 : vector<16xf32>
          %mul3A_458 = arith.mulf %get3A_404, %sub3A_457 : vector<16xf32>
          %add3A_459 = arith.addf %bitcast3A_443, %mul3A_458 : vector<16xf32>
          %jit3A = arith.constant 8 : i32
          %div3A = arith.divsi %add3A_401, %jit3A : i32
          %sign3A = arith.constant 0 : i32
          %sign3A_460 = arith.cmpi sgt, %add3A_401, %sign3A : i32
          %sign3A_461 = arith.extui %sign3A_460 : i1 to i32
          %sign3A_462 = arith.constant 0 : i32
          %sign3A_463 = arith.cmpi slt, %add3A_401, %sign3A_462 : i32
          %sign3A_464 = arith.extui %sign3A_463 : i1 to i32
          %sign3A_465 = arith.subi %sign3A_461, %sign3A_464 : i32
          %sign3A_466 = arith.constant 0 : i32
          %sign3A_467 = arith.cmpi sgt, %jit3A, %sign3A_466 : i32
          %sign3A_468 = arith.extui %sign3A_467 : i1 to i32
          %sign3A_469 = arith.constant 0 : i32
          %sign3A_470 = arith.cmpi slt, %jit3A, %sign3A_469 : i32
          %sign3A_471 = arith.extui %sign3A_470 : i1 to i32
          %sign3A_472 = arith.subi %sign3A_468, %sign3A_471 : i32
          %ne3A = arith.cmpi ne, %sign3A_465, %sign3A_472 : i32
          %rem3A = arith.remsi %add3A_401, %jit3A : i32
          %ne3A_473 = arith.constant 0 : i32
          %ne3A_474 = arith.cmpi ne, %rem3A, %ne3A_473 : i32
          %and3A_475 = arith.andi %ne3A, %ne3A_474 : i1
          %sub3A_476 = arith.constant 1 : i32
          %sub3A_477 = arith.subi %div3A, %sub3A_476 : i32
          %select_n3A = arith.select %and3A_475, %sub3A_477, %div3A : i32
          %mul3A_478 = arith.constant 256 : i32
          %mul3A_479 = arith.muli %select_n3A, %mul3A_478 : i32
          %jit3A_480 = arith.constant 8 : i32
          %eq3A = arith.constant 0 : i32
          %eq3A_481 = arith.cmpi eq, %jit3A_480, %eq3A : i32
          %jit3A_482 = arith.constant 1 : i32
          %select_n3A_483 = arith.select %eq3A_481, %jit3A_482, %jit3A_480 : i32
          %rem3A_484 = arith.remsi %add3A_401, %select_n3A_483 : i32
          %ne3A_485 = arith.constant 0 : i32
          %ne3A_486 = arith.cmpi ne, %rem3A_484, %ne3A_485 : i32
          %lt3A_487 = arith.constant 0 : i32
          %lt3A_488 = arith.cmpi slt, %rem3A_484, %lt3A_487 : i32
          %lt3A_489 = arith.constant 0 : i32
          %lt3A_490 = arith.cmpi slt, %select_n3A_483, %lt3A_489 : i32
          %ne3A_491 = arith.xori %lt3A_488, %lt3A_490 : i1
          %and3A_492 = arith.andi %ne3A_491, %ne3A_486 : i1
          %add3A_493 = arith.addi %rem3A_484, %select_n3A_483 : i32
          %select_n3A_494 = arith.select %and3A_492, %add3A_493, %rem3A_484 : i32
          %mul3A_495 = arith.constant 16 : i32
          %mul3A_496 = arith.muli %select_n3A_494, %mul3A_495 : i32
          %add3A_497 = arith.addi %mul3A_479, %mul3A_496 : i32
          %sub3A_498 = arith.subf %add3A_453, %add3A_450 : vector<16xf32>
          %mul3A_499 = arith.mulf %get3A_406, %sub3A_498 : vector<16xf32>
          %add3A_500 = arith.addf %add3A_450, %mul3A_499 : vector<16xf32>
          %swap3A = arith.index_cast %add3A_497 : i32 to index
          %swap3A_501 = tpu.vector_load %arg25[%swap3A] {strides = array<i32>} : memref<1024xf32, #tpu.memory_space<vmem>>, vector<16xf32>,
          tpu.vector_store %arg25[%swap3A], %add3A_500 {strides = array<i32>} : memref<1024xf32, #tpu.memory_space<vmem>>, vector<16xf32>,
          %sub3A_502 = arith.subf %add3A_459, %add3A_456 : vector<16xf32>
          %mul3A_503 = arith.mulf %get3A_406, %sub3A_502 : vector<16xf32>
          %add3A_504 = arith.addf %add3A_456, %mul3A_503 : vector<16xf32>
          %add3A_505 = arith.constant 128 : i32
          %add3A_506 = arith.addi %add3A_497, %add3A_505 : i32
          %swap3A_507 = arith.index_cast %add3A_506 : i32 to index
          %swap3A_508 = tpu.vector_load %arg25[%swap3A_507] {strides = array<i32>} : memref<1024xf32, #tpu.memory_space<vmem>>, vector<16xf32>,
          tpu.vector_store %arg25[%swap3A_507], %add3A_504 {strides = array<i32>} : memref<1024xf32, #tpu.memory_space<vmem>>, vector<16xf32>,
          %mul3A_509 = arith.constant 2 : i32
          %mul3A_510 = arith.muli %scan3A_397, %mul3A_509 : i32
          %add3A_511 = arith.constant 1 : i32
          %add3A_512 = arith.addi %mul3A_510, %add3A_511 : i32
          %mul3A_513 = arith.constant 16 : i32
          %mul3A_514 = arith.muli %add3A_512, %mul3A_513 : i32
          %get3A_515 = arith.index_cast %mul3A_514 : i32 to index
          %get3A_516 = tpu.vector_load %arg14[%get3A_515] {strides = array<i32>} : memref<512xf32, #tpu.memory_space<vmem>>, vector<16xf32>,
          %get3A_517 = arith.index_cast %mul3A_514 : i32 to index
          %get3A_518 = tpu.vector_load %arg15[%get3A_517] {strides = array<i32>} : memref<512xf32, #tpu.memory_space<vmem>>, vector<16xf32>,
          %get3A_519 = arith.index_cast %mul3A_514 : i32 to index
          %get3A_520 = tpu.vector_load %arg20[%get3A_519] {strides = array<i32>} : memref<512xf32, #tpu.memory_space<vmem>>, vector<16xf32>,
          %bitcast3A_521 = vector.bitcast %get3A_520 : vector<16xf32> to vector<16xi32>
          %get3A_522 = arith.index_cast %mul3A_514 : i32 to index
          %get3A_523 = tpu.vector_load %arg21[%get3A_522] {strides = array<i32>} : memref<512xf32, #tpu.memory_space<vmem>>, vector<16xf32>,
          %bitcast3A_524 = vector.bitcast %get3A_523 : vector<16xf32> to vector<16xi32>
          %get3A_525 = arith.index_cast %mul3A_514 : i32 to index
          %get3A_526 = tpu.vector_load %arg22[%get3A_525] {strides = array<i32>} : memref<512xf32, #tpu.memory_space<vmem>>, vector<16xf32>,
          %bitcast3A_527 = vector.bitcast %get3A_526 : vector<16xf32> to vector<16xi32>
          %get3A_528 = arith.index_cast %mul3A_514 : i32 to index
          %get3A_529 = tpu.vector_load %arg23[%get3A_528] {strides = array<i32>} : memref<512xf32, #tpu.memory_space<vmem>>, vector<16xf32>,
          %bitcast3A_530 = vector.bitcast %get3A_529 : vector<16xf32> to vector<16xi32>
          %shift_left3A_531 = arith.constant 16 : i32
          %shift_left3A_532 = vector.broadcast %shift_left3A_531 : i32 to vector<16xi32>
          %shift_left3A_533 = arith.shli %bitcast3A_521, %shift_left3A_532 : vector<16xi32>
          %bitcast3A_534 = vector.bitcast %shift_left3A_533 : vector<16xi32> to vector<16xf32>
          %shift_left3A_535 = arith.constant 16 : i32
          %shift_left3A_536 = vector.broadcast %shift_left3A_535 : i32 to vector<16xi32>
          %shift_left3A_537 = arith.shli %bitcast3A_524, %shift_left3A_536 : vector<16xi32>
          %bitcast3A_538 = vector.bitcast %shift_left3A_537 : vector<16xi32> to vector<16xf32>
          %shift_left3A_539 = arith.constant 16 : i32
          %shift_left3A_540 = vector.broadcast %shift_left3A_539 : i32 to vector<16xi32>
          %shift_left3A_541 = arith.shli %bitcast3A_527, %shift_left3A_540 : vector<16xi32>
          %bitcast3A_542 = vector.bitcast %shift_left3A_541 : vector<16xi32> to vector<16xf32>
          %shift_left3A_543 = arith.constant 16 : i32
          %shift_left3A_544 = vector.broadcast %shift_left3A_543 : i32 to vector<16xi32>
          %shift_left3A_545 = arith.shli %bitcast3A_530, %shift_left3A_544 : vector<16xi32>
          %bitcast3A_546 = vector.bitcast %shift_left3A_545 : vector<16xi32> to vector<16xf32>
          %and3A_547 = arith.constant -65536 : i32
          %and3A_548 = vector.broadcast %and3A_547 : i32 to vector<16xi32>
          %and3A_549 = arith.andi %bitcast3A_521, %and3A_548 : vector<16xi32>
          %bitcast3A_550 = vector.bitcast %and3A_549 : vector<16xi32> to vector<16xf32>
          %and3A_551 = arith.constant -65536 : i32
          %and3A_552 = vector.broadcast %and3A_551 : i32 to vector<16xi32>
          %and3A_553 = arith.andi %bitcast3A_524, %and3A_552 : vector<16xi32>
          %bitcast3A_554 = vector.bitcast %and3A_553 : vector<16xi32> to vector<16xf32>
          %and3A_555 = arith.constant -65536 : i32
          %and3A_556 = vector.broadcast %and3A_555 : i32 to vector<16xi32>
          %and3A_557 = arith.andi %bitcast3A_527, %and3A_556 : vector<16xi32>
          %bitcast3A_558 = vector.bitcast %and3A_557 : vector<16xi32> to vector<16xf32>
          %and3A_559 = arith.constant -65536 : i32
          %and3A_560 = vector.broadcast %and3A_559 : i32 to vector<16xi32>
          %and3A_561 = arith.andi %bitcast3A_530, %and3A_560 : vector<16xi32>
          %bitcast3A_562 = vector.bitcast %and3A_561 : vector<16xi32> to vector<16xf32>
          %sub3A_563 = arith.subf %bitcast3A_538, %bitcast3A_534 : vector<16xf32>
          %mul3A_564 = arith.mulf %get3A_516, %sub3A_563 : vector<16xf32>
          %add3A_565 = arith.addf %bitcast3A_534, %mul3A_564 : vector<16xf32>
          %sub3A_566 = arith.subf %bitcast3A_546, %bitcast3A_542 : vector<16xf32>
          %mul3A_567 = arith.mulf %get3A_516, %sub3A_566 : vector<16xf32>
          %add3A_568 = arith.addf %bitcast3A_542, %mul3A_567 : vector<16xf32>
          %sub3A_569 = arith.subf %bitcast3A_554, %bitcast3A_550 : vector<16xf32>
          %mul3A_570 = arith.mulf %get3A_516, %sub3A_569 : vector<16xf32>
          %add3A_571 = arith.addf %bitcast3A_550, %mul3A_570 : vector<16xf32>
          %sub3A_572 = arith.subf %bitcast3A_562, %bitcast3A_558 : vector<16xf32>
          %mul3A_573 = arith.mulf %get3A_516, %sub3A_572 : vector<16xf32>
          %add3A_574 = arith.addf %bitcast3A_558, %mul3A_573 : vector<16xf32>
          %jit3A_575 = arith.constant 8 : i32
          %div3A_576 = arith.divsi %add3A_512, %jit3A_575 : i32
          %sign3A_577 = arith.constant 0 : i32
          %sign3A_578 = arith.cmpi sgt, %add3A_512, %sign3A_577 : i32
          %sign3A_579 = arith.extui %sign3A_578 : i1 to i32
          %sign3A_580 = arith.constant 0 : i32
          %sign3A_581 = arith.cmpi slt, %add3A_512, %sign3A_580 : i32
          %sign3A_582 = arith.extui %sign3A_581 : i1 to i32
          %sign3A_583 = arith.subi %sign3A_579, %sign3A_582 : i32
          %sign3A_584 = arith.constant 0 : i32
          %sign3A_585 = arith.cmpi sgt, %jit3A_575, %sign3A_584 : i32
          %sign3A_586 = arith.extui %sign3A_585 : i1 to i32
          %sign3A_587 = arith.constant 0 : i32
          %sign3A_588 = arith.cmpi slt, %jit3A_575, %sign3A_587 : i32
          %sign3A_589 = arith.extui %sign3A_588 : i1 to i32
          %sign3A_590 = arith.subi %sign3A_586, %sign3A_589 : i32
          %ne3A_591 = arith.cmpi ne, %sign3A_583, %sign3A_590 : i32
          %rem3A_592 = arith.remsi %add3A_512, %jit3A_575 : i32
          %ne3A_593 = arith.constant 0 : i32
          %ne3A_594 = arith.cmpi ne, %rem3A_592, %ne3A_593 : i32
          %and3A_595 = arith.andi %ne3A_591, %ne3A_594 : i1
          %sub3A_596 = arith.constant 1 : i32
          %sub3A_597 = arith.subi %div3A_576, %sub3A_596 : i32
          %select_n3A_598 = arith.select %and3A_595, %sub3A_597, %div3A_576 : i32
          %mul3A_599 = arith.constant 256 : i32
          %mul3A_600 = arith.muli %select_n3A_598, %mul3A_599 : i32
          %jit3A_601 = arith.constant 8 : i32
          %eq3A_602 = arith.constant 0 : i32
          %eq3A_603 = arith.cmpi eq, %jit3A_601, %eq3A_602 : i32
          %jit3A_604 = arith.constant 1 : i32
          %select_n3A_605 = arith.select %eq3A_603, %jit3A_604, %jit3A_601 : i32
          %rem3A_606 = arith.remsi %add3A_512, %select_n3A_605 : i32
          %ne3A_607 = arith.constant 0 : i32
          %ne3A_608 = arith.cmpi ne, %rem3A_606, %ne3A_607 : i32
          %lt3A_609 = arith.constant 0 : i32
          %lt3A_610 = arith.cmpi slt, %rem3A_606, %lt3A_609 : i32
          %lt3A_611 = arith.constant 0 : i32
          %lt3A_612 = arith.cmpi slt, %select_n3A_605, %lt3A_611 : i32
          %ne3A_613 = arith.xori %lt3A_610, %lt3A_612 : i1
          %and3A_614 = arith.andi %ne3A_613, %ne3A_608 : i1
          %add3A_615 = arith.addi %rem3A_606, %select_n3A_605 : i32
          %select_n3A_616 = arith.select %and3A_614, %add3A_615, %rem3A_606 : i32
          %mul3A_617 = arith.constant 16 : i32
          %mul3A_618 = arith.muli %select_n3A_616, %mul3A_617 : i32
          %add3A_619 = arith.addi %mul3A_600, %mul3A_618 : i32
          %sub3A_620 = arith.subf %add3A_568, %add3A_565 : vector<16xf32>
          %mul3A_621 = arith.mulf %get3A_518, %sub3A_620 : vector<16xf32>
          %add3A_622 = arith.addf %add3A_565, %mul3A_621 : vector<16xf32>
          %swap3A_623 = arith.index_cast %add3A_619 : i32 to index
          %swap3A_624 = tpu.vector_load %arg25[%swap3A_623] {strides = array<i32>} : memref<1024xf32, #tpu.memory_space<vmem>>, vector<16xf32>,
          tpu.vector_store %arg25[%swap3A_623], %add3A_622 {strides = array<i32>} : memref<1024xf32, #tpu.memory_space<vmem>>, vector<16xf32>,
          %sub3A_625 = arith.subf %add3A_574, %add3A_571 : vector<16xf32>
          %mul3A_626 = arith.mulf %get3A_518, %sub3A_625 : vector<16xf32>
          %add3A_627 = arith.addf %add3A_571, %mul3A_626 : vector<16xf32>
          %add3A_628 = arith.constant 128 : i32
          %add3A_629 = arith.addi %add3A_619, %add3A_628 : i32
          %swap3A_630 = arith.index_cast %add3A_629 : i32 to index
          %swap3A_631 = tpu.vector_load %arg25[%swap3A_630] {strides = array<i32>} : memref<1024xf32, #tpu.memory_space<vmem>>, vector<16xf32>,
          tpu.vector_store %arg25[%swap3A_630], %add3A_627 {strides = array<i32>} : memref<1024xf32, #tpu.memory_space<vmem>>, vector<16xf32>,
        }
        %scan3A_389 = arith.constant 16 : i32
        %sub3A_390 = arith.constant 1 : i32
        %sub3A_391 = arith.subi %add3A_96, %sub3A_390 : i32
        %mul3A_392 = arith.constant 32768 : i32
        %mul3A_393 = arith.muli %sub3A_391, %mul3A_392 : i32
        %add3A_394 = arith.addi %mul3A_393, %mul3A_2 : i32
        %dma_start3A_395 = tpu.memref_slice %arg4[%add3A_394] : memref<6553600xf32, #tpu.memory_space<hbm>> -> memref<1024xf32, #tpu.memory_space<hbm>>
        %dma_start3A_396 = tpu.memref_slice %arg4[%add3A_394] : memref<6553600xf32, #tpu.memory_space<hbm>> -> memref<1024xf32, #tpu.memory_space<hbm>>
        tpu.enqueue_dma source(%arg25 : memref<1024xf32, #tpu.memory_space<vmem>>) target(%dma_start3A_396 : memref<1024xf32, #tpu.memory_space<hbm>>) target_semaphore(%arg31 : memref<!tpu.dma_semaphore, #tpu.memory_space<semaphore_mem>>)
      } else {
      }
      %mul3A_173 = arith.constant 2 : i32
      %mul3A_174 = arith.muli %scan3A_92, %mul3A_173 : i32
      %add3A_175 = arith.constant 1 : i32
      %add3A_176 = arith.addi %mul3A_174, %add3A_175 : i32
      %add3A_177 = arith.constant 1 : i32
      %add3A_178 = arith.addi %add3A_176, %add3A_177 : i32
      %lt3A = arith.constant 200 : i32
      %lt3A_179 = arith.cmpi slt, %add3A_178, %lt3A : i32
      %convert_element_type3A_180 = arith.extui %lt3A_179 : i1 to i32
      %cond3A_181 = arith.constant 0 : i32
      %cond3A_182 = arith.cmpi ne, %convert_element_type3A_180, %cond3A_181 : i32
      scf.if %cond3A_182 {
        %add3A_323 = arith.constant 1 : i32
        %add3A_324 = arith.addi %add3A_176, %add3A_323 : i32
        %mul3A_325 = arith.constant 32768 : i32
        %mul3A_326 = arith.muli %add3A_324, %mul3A_325 : i32
        %add3A_327 = arith.addi %mul3A_326, %mul3A_2 : i32
        %dma_start3A_328 = tpu.memref_slice %arg2[%add3A_327] : memref<6553600xf32, #tpu.memory_space<hbm>> -> memref<1024xf32, #tpu.memory_space<hbm>>
        %dma_start3A_329 = tpu.memref_slice %arg2[%add3A_327] : memref<6553600xf32, #tpu.memory_space<hbm>> -> memref<1024xf32, #tpu.memory_space<hbm>>
        tpu.enqueue_dma source(%dma_start3A_329 : memref<1024xf32, #tpu.memory_space<hbm>>) target(%arg6 : memref<1024xf32, #tpu.memory_space<vmem>>) target_semaphore(%arg26 : memref<!tpu.dma_semaphore, #tpu.memory_space<semaphore_mem>>)
      } else {
      }
      %mul3A_183 = arith.constant 32768 : i32
      %mul3A_184 = arith.muli %add3A_176, %mul3A_183 : i32
      %add3A_185 = arith.addi %mul3A_184, %mul3A_2 : i32
      %dma_wait3A_186 = tpu.memref_slice %arg2[%add3A_185] : memref<6553600xf32, #tpu.memory_space<hbm>> -> memref<1024xf32, #tpu.memory_space<hbm>>
      %dma_wait3A_187 = tpu.memref_slice %arg2[%add3A_185] : memref<6553600xf32, #tpu.memory_space<hbm>> -> memref<1024xf32, #tpu.memory_space<hbm>>
      tpu.wait_dma2 semaphore(%arg27 : memref<!tpu.dma_semaphore, #tpu.memory_space<semaphore_mem>>) src(%dma_wait3A_187 : memref<1024xf32, #tpu.memory_space<hbm>>) dst(%arg7 : memref<1024xf32, #tpu.memory_space<vmem>>)
      %scan3A_188 = arith.constant 0 : i32
      %scan3A_189 = arith.constant 0 : i32
      %scan3A_190 = arith.constant 16 : i32
      %scan3A_191 = arith.addi %scan3A_189, %scan3A_190 : i32
      %scan3A_192 = arith.constant 1 : i32
      scf.for %scan3A_323 = %scan3A_189 to %scan3A_191 step %scan3A_192  : i32 {
        %mul3A_324 = arith.constant 2 : i32
        %mul3A_325 = arith.muli %scan3A_323, %mul3A_324 : i32
        %add3A_326 = arith.constant 0 : i32
        %add3A_327 = arith.addi %mul3A_325, %add3A_326 : i32
        %mul3A_328 = arith.constant 16 : i32
        %mul3A_329 = arith.muli %add3A_327, %mul3A_328 : i32
        %jit3A = arith.constant 8 : i32
        %div3A = arith.divsi %add3A_327, %jit3A : i32
        %sign3A = arith.constant 0 : i32
        %sign3A_330 = arith.cmpi sgt, %add3A_327, %sign3A : i32
        %sign3A_331 = arith.extui %sign3A_330 : i1 to i32
        %sign3A_332 = arith.constant 0 : i32
        %sign3A_333 = arith.cmpi slt, %add3A_327, %sign3A_332 : i32
        %sign3A_334 = arith.extui %sign3A_333 : i1 to i32
        %sign3A_335 = arith.subi %sign3A_331, %sign3A_334 : i32
        %sign3A_336 = arith.constant 0 : i32
        %sign3A_337 = arith.cmpi sgt, %jit3A, %sign3A_336 : i32
        %sign3A_338 = arith.extui %sign3A_337 : i1 to i32
        %sign3A_339 = arith.constant 0 : i32
        %sign3A_340 = arith.cmpi slt, %jit3A, %sign3A_339 : i32
        %sign3A_341 = arith.extui %sign3A_340 : i1 to i32
        %sign3A_342 = arith.subi %sign3A_338, %sign3A_341 : i32
        %ne3A = arith.cmpi ne, %sign3A_335, %sign3A_342 : i32
        %rem3A = arith.remsi %add3A_327, %jit3A : i32
        %ne3A_343 = arith.constant 0 : i32
        %ne3A_344 = arith.cmpi ne, %rem3A, %ne3A_343 : i32
        %and3A = arith.andi %ne3A, %ne3A_344 : i1
        %sub3A_345 = arith.constant 1 : i32
        %sub3A_346 = arith.subi %div3A, %sub3A_345 : i32
        %select_n3A = arith.select %and3A, %sub3A_346, %div3A : i32
        %mul3A_347 = arith.constant 256 : i32
        %mul3A_348 = arith.muli %select_n3A, %mul3A_347 : i32
        %jit3A_349 = arith.constant 8 : i32
        %eq3A = arith.constant 0 : i32
        %eq3A_350 = arith.cmpi eq, %jit3A_349, %eq3A : i32
        %jit3A_351 = arith.constant 1 : i32
        %select_n3A_352 = arith.select %eq3A_350, %jit3A_351, %jit3A_349 : i32
        %rem3A_353 = arith.remsi %add3A_327, %select_n3A_352 : i32
        %ne3A_354 = arith.constant 0 : i32
        %ne3A_355 = arith.cmpi ne, %rem3A_353, %ne3A_354 : i32
        %lt3A_356 = arith.constant 0 : i32
        %lt3A_357 = arith.cmpi slt, %rem3A_353, %lt3A_356 : i32
        %lt3A_358 = arith.constant 0 : i32
        %lt3A_359 = arith.cmpi slt, %select_n3A_352, %lt3A_358 : i32
        %ne3A_360 = arith.xori %lt3A_357, %lt3A_359 : i1
        %and3A_361 = arith.andi %ne3A_360, %ne3A_355 : i1
        %add3A_362 = arith.addi %rem3A_353, %select_n3A_352 : i32
        %select_n3A_363 = arith.select %and3A_361, %add3A_362, %rem3A_353 : i32
        %mul3A_364 = arith.constant 16 : i32
        %mul3A_365 = arith.muli %select_n3A_363, %mul3A_364 : i32
        %add3A_366 = arith.addi %mul3A_348, %mul3A_365 : i32
        %get3A = arith.index_cast %add3A_366 : i32 to index
        %get3A_367 = tpu.vector_load %arg7[%get3A] {strides = array<i32>} : memref<1024xf32, #tpu.memory_space<vmem>>, vector<16xf32>,
        %mul3A_368 = arith.constant 1.023000e+03 : f32
        %mul3A_369 = vector.broadcast %mul3A_368 : f32 to vector<16xf32>
        %mul3A_370 = arith.mulf %get3A_367, %mul3A_369 : vector<16xf32>
        %add3A_371 = arith.constant 128 : i32
        %add3A_372 = arith.addi %add3A_366, %add3A_371 : i32
        %get3A_373 = arith.index_cast %add3A_372 : i32 to index
        %get3A_374 = tpu.vector_load %arg7[%get3A_373] {strides = array<i32>} : memref<1024xf32, #tpu.memory_space<vmem>>, vector<16xf32>,
        %mul3A_375 = arith.constant 1.023000e+03 : f32
        %mul3A_376 = vector.broadcast %mul3A_375 : f32 to vector<16xf32>
        %mul3A_377 = arith.mulf %get3A_374, %mul3A_376 : vector<16xf32>
        %convert_element_type3A_378 = arith.fptosi %mul3A_370 : vector<16xf32> to vector<16xi32>
        %convert_element_type3A_379 = arith.fptosi %mul3A_377 : vector<16xf32> to vector<16xi32>
        %convert_element_type3A_380 = arith.sitofp %convert_element_type3A_378 : vector<16xi32> to vector<16xf32>
        %sub3A_381 = arith.subf %mul3A_370, %convert_element_type3A_380 : vector<16xf32>
        %convert_element_type3A_382 = arith.sitofp %convert_element_type3A_379 : vector<16xi32> to vector<16xf32>
        %sub3A_383 = arith.subf %mul3A_377, %convert_element_type3A_382 : vector<16xf32>
        %shift_left3A = arith.constant 10 : i32
        %shift_left3A_384 = vector.broadcast %shift_left3A : i32 to vector<16xi32>
        %shift_left3A_385 = arith.shli %convert_element_type3A_379, %shift_left3A_384 : vector<16xi32>
        %add3A_386 = arith.addi %shift_left3A_385, %convert_element_type3A_378 : vector<16xi32>
        %swap3A = arith.index_cast %mul3A_329 : i32 to index
        %swap3A_387 = tpu.vector_load %arg10[%swap3A] {strides = array<i32>} : memref<512xi32, #tpu.memory_space<vmem>>, vector<16xi32>,
        tpu.vector_store %arg10[%swap3A], %add3A_386 {strides = array<i32>} : memref<512xi32, #tpu.memory_space<vmem>>, vector<16xi32>,
        %add3A_388 = arith.constant 1 : i32
        %add3A_389 = vector.broadcast %add3A_388 : i32 to vector<16xi32>
        %add3A_390 = arith.addi %add3A_386, %add3A_389 : vector<16xi32>
        %swap3A_391 = arith.index_cast %mul3A_329 : i32 to index
        %swap3A_392 = tpu.vector_load %arg11[%swap3A_391] {strides = array<i32>} : memref<512xi32, #tpu.memory_space<vmem>>, vector<16xi32>,
        tpu.vector_store %arg11[%swap3A_391], %add3A_390 {strides = array<i32>} : memref<512xi32, #tpu.memory_space<vmem>>, vector<16xi32>,
        %swap3A_393 = arith.index_cast %mul3A_329 : i32 to index
        %swap3A_394 = tpu.vector_load %arg14[%swap3A_393] {strides = array<i32>} : memref<512xf32, #tpu.memory_space<vmem>>, vector<16xf32>,
        tpu.vector_store %arg14[%swap3A_393], %sub3A_381 {strides = array<i32>} : memref<512xf32, #tpu.memory_space<vmem>>, vector<16xf32>,
        %swap3A_395 = arith.index_cast %mul3A_329 : i32 to index
        %swap3A_396 = tpu.vector_load %arg15[%swap3A_395] {strides = array<i32>} : memref<512xf32, #tpu.memory_space<vmem>>, vector<16xf32>,
        tpu.vector_store %arg15[%swap3A_395], %sub3A_383 {strides = array<i32>} : memref<512xf32, #tpu.memory_space<vmem>>, vector<16xf32>,
        %mul3A_397 = arith.constant 2 : i32
        %mul3A_398 = arith.muli %scan3A_323, %mul3A_397 : i32
        %add3A_399 = arith.constant 1 : i32
        %add3A_400 = arith.addi %mul3A_398, %add3A_399 : i32
        %mul3A_401 = arith.constant 16 : i32
        %mul3A_402 = arith.muli %add3A_400, %mul3A_401 : i32
        %jit3A_403 = arith.constant 8 : i32
        %div3A_404 = arith.divsi %add3A_400, %jit3A_403 : i32
        %sign3A_405 = arith.constant 0 : i32
        %sign3A_406 = arith.cmpi sgt, %add3A_400, %sign3A_405 : i32
        %sign3A_407 = arith.extui %sign3A_406 : i1 to i32
        %sign3A_408 = arith.constant 0 : i32
        %sign3A_409 = arith.cmpi slt, %add3A_400, %sign3A_408 : i32
        %sign3A_410 = arith.extui %sign3A_409 : i1 to i32
        %sign3A_411 = arith.subi %sign3A_407, %sign3A_410 : i32
        %sign3A_412 = arith.constant 0 : i32
        %sign3A_413 = arith.cmpi sgt, %jit3A_403, %sign3A_412 : i32
        %sign3A_414 = arith.extui %sign3A_413 : i1 to i32
        %sign3A_415 = arith.constant 0 : i32
        %sign3A_416 = arith.cmpi slt, %jit3A_403, %sign3A_415 : i32
        %sign3A_417 = arith.extui %sign3A_416 : i1 to i32
        %sign3A_418 = arith.subi %sign3A_414, %sign3A_417 : i32
        %ne3A_419 = arith.cmpi ne, %sign3A_411, %sign3A_418 : i32
        %rem3A_420 = arith.remsi %add3A_400, %jit3A_403 : i32
        %ne3A_421 = arith.constant 0 : i32
        %ne3A_422 = arith.cmpi ne, %rem3A_420, %ne3A_421 : i32
        %and3A_423 = arith.andi %ne3A_419, %ne3A_422 : i1
        %sub3A_424 = arith.constant 1 : i32
        %sub3A_425 = arith.subi %div3A_404, %sub3A_424 : i32
        %select_n3A_426 = arith.select %and3A_423, %sub3A_425, %div3A_404 : i32
        %mul3A_427 = arith.constant 256 : i32
        %mul3A_428 = arith.muli %select_n3A_426, %mul3A_427 : i32
        %jit3A_429 = arith.constant 8 : i32
        %eq3A_430 = arith.constant 0 : i32
        %eq3A_431 = arith.cmpi eq, %jit3A_429, %eq3A_430 : i32
        %jit3A_432 = arith.constant 1 : i32
        %select_n3A_433 = arith.select %eq3A_431, %jit3A_432, %jit3A_429 : i32
        %rem3A_434 = arith.remsi %add3A_400, %select_n3A_433 : i32
        %ne3A_435 = arith.constant 0 : i32
        %ne3A_436 = arith.cmpi ne, %rem3A_434, %ne3A_435 : i32
        %lt3A_437 = arith.constant 0 : i32
        %lt3A_438 = arith.cmpi slt, %rem3A_434, %lt3A_437 : i32
        %lt3A_439 = arith.constant 0 : i32
        %lt3A_440 = arith.cmpi slt, %select_n3A_433, %lt3A_439 : i32
        %ne3A_441 = arith.xori %lt3A_438, %lt3A_440 : i1
        %and3A_442 = arith.andi %ne3A_441, %ne3A_436 : i1
        %add3A_443 = arith.addi %rem3A_434, %select_n3A_433 : i32
        %select_n3A_444 = arith.select %and3A_442, %add3A_443, %rem3A_434 : i32
        %mul3A_445 = arith.constant 16 : i32
        %mul3A_446 = arith.muli %select_n3A_444, %mul3A_445 : i32
        %add3A_447 = arith.addi %mul3A_428, %mul3A_446 : i32
        %get3A_448 = arith.index_cast %add3A_447 : i32 to index
        %get3A_449 = tpu.vector_load %arg7[%get3A_448] {strides = array<i32>} : memref<1024xf32, #tpu.memory_space<vmem>>, vector<16xf32>,
        %mul3A_450 = arith.constant 1.023000e+03 : f32
        %mul3A_451 = vector.broadcast %mul3A_450 : f32 to vector<16xf32>
        %mul3A_452 = arith.mulf %get3A_449, %mul3A_451 : vector<16xf32>
        %add3A_453 = arith.constant 128 : i32
        %add3A_454 = arith.addi %add3A_447, %add3A_453 : i32
        %get3A_455 = arith.index_cast %add3A_454 : i32 to index
        %get3A_456 = tpu.vector_load %arg7[%get3A_455] {strides = array<i32>} : memref<1024xf32, #tpu.memory_space<vmem>>, vector<16xf32>,
        %mul3A_457 = arith.constant 1.023000e+03 : f32
        %mul3A_458 = vector.broadcast %mul3A_457 : f32 to vector<16xf32>
        %mul3A_459 = arith.mulf %get3A_456, %mul3A_458 : vector<16xf32>
        %convert_element_type3A_460 = arith.fptosi %mul3A_452 : vector<16xf32> to vector<16xi32>
        %convert_element_type3A_461 = arith.fptosi %mul3A_459 : vector<16xf32> to vector<16xi32>
        %convert_element_type3A_462 = arith.sitofp %convert_element_type3A_460 : vector<16xi32> to vector<16xf32>
        %sub3A_463 = arith.subf %mul3A_452, %convert_element_type3A_462 : vector<16xf32>
        %convert_element_type3A_464 = arith.sitofp %convert_element_type3A_461 : vector<16xi32> to vector<16xf32>
        %sub3A_465 = arith.subf %mul3A_459, %convert_element_type3A_464 : vector<16xf32>
        %shift_left3A_466 = arith.constant 10 : i32
        %shift_left3A_467 = vector.broadcast %shift_left3A_466 : i32 to vector<16xi32>
        %shift_left3A_468 = arith.shli %convert_element_type3A_461, %shift_left3A_467 : vector<16xi32>
        %add3A_469 = arith.addi %shift_left3A_468, %convert_element_type3A_460 : vector<16xi32>
        %swap3A_470 = arith.index_cast %mul3A_402 : i32 to index
        %swap3A_471 = tpu.vector_load %arg10[%swap3A_470] {strides = array<i32>} : memref<512xi32, #tpu.memory_space<vmem>>, vector<16xi32>,
        tpu.vector_store %arg10[%swap3A_470], %add3A_469 {strides = array<i32>} : memref<512xi32, #tpu.memory_space<vmem>>, vector<16xi32>,
        %add3A_472 = arith.constant 1 : i32
        %add3A_473 = vector.broadcast %add3A_472 : i32 to vector<16xi32>
        %add3A_474 = arith.addi %add3A_469, %add3A_473 : vector<16xi32>
        %swap3A_475 = arith.index_cast %mul3A_402 : i32 to index
        %swap3A_476 = tpu.vector_load %arg11[%swap3A_475] {strides = array<i32>} : memref<512xi32, #tpu.memory_space<vmem>>, vector<16xi32>,
        tpu.vector_store %arg11[%swap3A_475], %add3A_474 {strides = array<i32>} : memref<512xi32, #tpu.memory_space<vmem>>, vector<16xi32>,
        %swap3A_477 = arith.index_cast %mul3A_402 : i32 to index
        %swap3A_478 = tpu.vector_load %arg14[%swap3A_477] {strides = array<i32>} : memref<512xf32, #tpu.memory_space<vmem>>, vector<16xf32>,
        tpu.vector_store %arg14[%swap3A_477], %sub3A_463 {strides = array<i32>} : memref<512xf32, #tpu.memory_space<vmem>>, vector<16xf32>,
        %swap3A_479 = arith.index_cast %mul3A_402 : i32 to index
        %swap3A_480 = tpu.vector_load %arg15[%swap3A_479] {strides = array<i32>} : memref<512xf32, #tpu.memory_space<vmem>>, vector<16xf32>,
        tpu.vector_store %arg15[%swap3A_479], %sub3A_465 {strides = array<i32>} : memref<512xf32, #tpu.memory_space<vmem>>, vector<16xf32>,
      }
      %scan3A_193 = arith.constant 16 : i32
      %dma_start3A_194 = arith.constant 0 : i32
      %dma_start3A_195 = tpu.memref_slice %arg20[%dma_start3A_194] : memref<512xf32, #tpu.memory_space<vmem>> -> memref<256xf32, #tpu.memory_space<vmem>>
      %dma_start3A_196 = arith.constant 0 : i32
      %dma_start3A_197 = tpu.memref_slice %arg10[%dma_start3A_196] : memref<512xi32, #tpu.memory_space<vmem>> -> memref<256xi32, #tpu.memory_space<vmem>>
      %dma_start3A_198 = arith.constant 0 : i32
      %dma_start3A_199 = tpu.memref_slice %arg5[%dma_start3A_198] : memref<1048576xf32, #tpu.memory_space<vmem_shared>> -> memref<1048576xf32, #tpu.memory_space<vmem_shared>>
      tpu.enqueue_indirect_dma source(%dma_start3A_199 : memref<1048576xf32, #tpu.memory_space<vmem_shared>>) target(%dma_start3A_195 : memref<256xf32, #tpu.memory_space<vmem>>) offsets(%dma_start3A_197 : memref<256xi32, #tpu.memory_space<vmem>>) semaphore(%arg29 : memref<!tpu.dma_semaphore, #tpu.memory_space<semaphore_mem>>)
      %dma_start3A_200 = arith.constant 256 : i32
      %dma_start3A_201 = tpu.memref_slice %arg20[%dma_start3A_200] : memref<512xf32, #tpu.memory_space<vmem>> -> memref<256xf32, #tpu.memory_space<vmem>>
      %dma_start3A_202 = arith.constant 256 : i32
      %dma_start3A_203 = tpu.memref_slice %arg10[%dma_start3A_202] : memref<512xi32, #tpu.memory_space<vmem>> -> memref<256xi32, #tpu.memory_space<vmem>>
      %dma_start3A_204 = arith.constant 0 : i32
      %dma_start3A_205 = tpu.memref_slice %arg5[%dma_start3A_204] : memref<1048576xf32, #tpu.memory_space<vmem_shared>> -> memref<1048576xf32, #tpu.memory_space<vmem_shared>>
      tpu.enqueue_indirect_dma source(%dma_start3A_205 : memref<1048576xf32, #tpu.memory_space<vmem_shared>>) target(%dma_start3A_201 : memref<256xf32, #tpu.memory_space<vmem>>) offsets(%dma_start3A_203 : memref<256xi32, #tpu.memory_space<vmem>>) semaphore(%arg29 : memref<!tpu.dma_semaphore, #tpu.memory_space<semaphore_mem>>)
      %dma_start3A_206 = arith.constant 0 : i32
      %dma_start3A_207 = tpu.memref_slice %arg21[%dma_start3A_206] : memref<512xf32, #tpu.memory_space<vmem>> -> memref<256xf32, #tpu.memory_space<vmem>>
      %dma_start3A_208 = arith.constant 0 : i32
      %dma_start3A_209 = tpu.memref_slice %arg11[%dma_start3A_208] : memref<512xi32, #tpu.memory_space<vmem>> -> memref<256xi32, #tpu.memory_space<vmem>>
      %dma_start3A_210 = arith.constant 0 : i32
      %dma_start3A_211 = tpu.memref_slice %arg5[%dma_start3A_210] : memref<1048576xf32, #tpu.memory_space<vmem_shared>> -> memref<1048576xf32, #tpu.memory_space<vmem_shared>>
      tpu.enqueue_indirect_dma source(%dma_start3A_211 : memref<1048576xf32, #tpu.memory_space<vmem_shared>>) target(%dma_start3A_207 : memref<256xf32, #tpu.memory_space<vmem>>) offsets(%dma_start3A_209 : memref<256xi32, #tpu.memory_space<vmem>>) semaphore(%arg29 : memref<!tpu.dma_semaphore, #tpu.memory_space<semaphore_mem>>)
      %dma_start3A_212 = arith.constant 256 : i32
      %dma_start3A_213 = tpu.memref_slice %arg21[%dma_start3A_212] : memref<512xf32, #tpu.memory_space<vmem>> -> memref<256xf32, #tpu.memory_space<vmem>>
      %dma_start3A_214 = arith.constant 256 : i32
      %dma_start3A_215 = tpu.memref_slice %arg11[%dma_start3A_214] : memref<512xi32, #tpu.memory_space<vmem>> -> memref<256xi32, #tpu.memory_space<vmem>>
      %dma_start3A_216 = arith.constant 0 : i32
      %dma_start3A_217 = tpu.memref_slice %arg5[%dma_start3A_216] : memref<1048576xf32, #tpu.memory_space<vmem_shared>> -> memref<1048576xf32, #tpu.memory_space<vmem_shared>>
      tpu.enqueue_indirect_dma source(%dma_start3A_217 : memref<1048576xf32, #tpu.memory_space<vmem_shared>>) target(%dma_start3A_213 : memref<256xf32, #tpu.memory_space<vmem>>) offsets(%dma_start3A_215 : memref<256xi32, #tpu.memory_space<vmem>>) semaphore(%arg29 : memref<!tpu.dma_semaphore, #tpu.memory_space<semaphore_mem>>)
      %dma_start3A_218 = arith.constant 0 : i32
      %dma_start3A_219 = tpu.memref_slice %arg22[%dma_start3A_218] : memref<512xf32, #tpu.memory_space<vmem>> -> memref<256xf32, #tpu.memory_space<vmem>>
      %dma_start3A_220 = arith.constant 0 : i32
      %dma_start3A_221 = tpu.memref_slice %arg10[%dma_start3A_220] : memref<512xi32, #tpu.memory_space<vmem>> -> memref<256xi32, #tpu.memory_space<vmem>>
      %dma_start3A_222 = arith.constant 1024 : i32
      %dma_start3A_223 = tpu.memref_slice %arg5[%dma_start3A_222] : memref<1048576xf32, #tpu.memory_space<vmem_shared>> -> memref<1047552xf32, #tpu.memory_space<vmem_shared>>
      %dma_start3A_224 = arith.constant 0 : i32
      %dma_start3A_225 = tpu.memref_slice %dma_start3A_223[%dma_start3A_224] : memref<1047552xf32, #tpu.memory_space<vmem_shared>> -> memref<1047552xf32, #tpu.memory_space<vmem_shared>>
      tpu.enqueue_indirect_dma source(%dma_start3A_225 : memref<1047552xf32, #tpu.memory_space<vmem_shared>>) target(%dma_start3A_219 : memref<256xf32, #tpu.memory_space<vmem>>) offsets(%dma_start3A_221 : memref<256xi32, #tpu.memory_space<vmem>>) semaphore(%arg29 : memref<!tpu.dma_semaphore, #tpu.memory_space<semaphore_mem>>)
      %dma_start3A_226 = arith.constant 256 : i32
      %dma_start3A_227 = tpu.memref_slice %arg22[%dma_start3A_226] : memref<512xf32, #tpu.memory_space<vmem>> -> memref<256xf32, #tpu.memory_space<vmem>>
      %dma_start3A_228 = arith.constant 256 : i32
      %dma_start3A_229 = tpu.memref_slice %arg10[%dma_start3A_228] : memref<512xi32, #tpu.memory_space<vmem>> -> memref<256xi32, #tpu.memory_space<vmem>>
      %dma_start3A_230 = arith.constant 1024 : i32
      %dma_start3A_231 = tpu.memref_slice %arg5[%dma_start3A_230] : memref<1048576xf32, #tpu.memory_space<vmem_shared>> -> memref<1047552xf32, #tpu.memory_space<vmem_shared>>
      %dma_start3A_232 = arith.constant 0 : i32
      %dma_start3A_233 = tpu.memref_slice %dma_start3A_231[%dma_start3A_232] : memref<1047552xf32, #tpu.memory_space<vmem_shared>> -> memref<1047552xf32, #tpu.memory_space<vmem_shared>>
      tpu.enqueue_indirect_dma source(%dma_start3A_233 : memref<1047552xf32, #tpu.memory_space<vmem_shared>>) target(%dma_start3A_227 : memref<256xf32, #tpu.memory_space<vmem>>) offsets(%dma_start3A_229 : memref<256xi32, #tpu.memory_space<vmem>>) semaphore(%arg29 : memref<!tpu.dma_semaphore, #tpu.memory_space<semaphore_mem>>)
      %dma_start3A_234 = arith.constant 0 : i32
      %dma_start3A_235 = tpu.memref_slice %arg23[%dma_start3A_234] : memref<512xf32, #tpu.memory_space<vmem>> -> memref<256xf32, #tpu.memory_space<vmem>>
      %dma_start3A_236 = arith.constant 0 : i32
      %dma_start3A_237 = tpu.memref_slice %arg11[%dma_start3A_236] : memref<512xi32, #tpu.memory_space<vmem>> -> memref<256xi32, #tpu.memory_space<vmem>>
      %dma_start3A_238 = arith.constant 1024 : i32
      %dma_start3A_239 = tpu.memref_slice %arg5[%dma_start3A_238] : memref<1048576xf32, #tpu.memory_space<vmem_shared>> -> memref<1047552xf32, #tpu.memory_space<vmem_shared>>
      %dma_start3A_240 = arith.constant 0 : i32
      %dma_start3A_241 = tpu.memref_slice %dma_start3A_239[%dma_start3A_240] : memref<1047552xf32, #tpu.memory_space<vmem_shared>> -> memref<1047552xf32, #tpu.memory_space<vmem_shared>>
      tpu.enqueue_indirect_dma source(%dma_start3A_241 : memref<1047552xf32, #tpu.memory_space<vmem_shared>>) target(%dma_start3A_235 : memref<256xf32, #tpu.memory_space<vmem>>) offsets(%dma_start3A_237 : memref<256xi32, #tpu.memory_space<vmem>>) semaphore(%arg29 : memref<!tpu.dma_semaphore, #tpu.memory_space<semaphore_mem>>)
      %dma_start3A_242 = arith.constant 256 : i32
      %dma_start3A_243 = tpu.memref_slice %arg23[%dma_start3A_242] : memref<512xf32, #tpu.memory_space<vmem>> -> memref<256xf32, #tpu.memory_space<vmem>>
      %dma_start3A_244 = arith.constant 256 : i32
      %dma_start3A_245 = tpu.memref_slice %arg11[%dma_start3A_244] : memref<512xi32, #tpu.memory_space<vmem>> -> memref<256xi32, #tpu.memory_space<vmem>>
      %dma_start3A_246 = arith.constant 1024 : i32
      %dma_start3A_247 = tpu.memref_slice %arg5[%dma_start3A_246] : memref<1048576xf32, #tpu.memory_space<vmem_shared>> -> memref<1047552xf32, #tpu.memory_space<vmem_shared>>
      %dma_start3A_248 = arith.constant 0 : i32
      %dma_start3A_249 = tpu.memref_slice %dma_start3A_247[%dma_start3A_248] : memref<1047552xf32, #tpu.memory_space<vmem_shared>> -> memref<1047552xf32, #tpu.memory_space<vmem_shared>>
      tpu.enqueue_indirect_dma source(%dma_start3A_249 : memref<1047552xf32, #tpu.memory_space<vmem_shared>>) target(%dma_start3A_243 : memref<256xf32, #tpu.memory_space<vmem>>) offsets(%dma_start3A_245 : memref<256xi32, #tpu.memory_space<vmem>>) semaphore(%arg29 : memref<!tpu.dma_semaphore, #tpu.memory_space<semaphore_mem>>)
      %dma_wait3A_250 = arith.constant 0 : i32
      %dma_wait3A_251 = tpu.memref_slice %arg16[%dma_wait3A_250] : memref<512xf32, #tpu.memory_space<vmem>> -> memref<256xf32, #tpu.memory_space<vmem>>
      %dma_wait3A_252 = arith.constant 0 : i32
      %dma_wait3A_253 = tpu.memref_slice %arg8[%dma_wait3A_252] : memref<512xi32, #tpu.memory_space<vmem>> -> memref<256xi32, #tpu.memory_space<vmem>>
      %dma_wait3A_254 = arith.constant 0 : i32
      %dma_wait3A_255 = tpu.memref_slice %arg5[%dma_wait3A_254] : memref<1048576xf32, #tpu.memory_space<vmem_shared>> -> memref<1048576xf32, #tpu.memory_space<vmem_shared>>
      tpu.wait_indirect_dma semaphore(%arg28 : memref<!tpu.dma_semaphore, #tpu.memory_space<semaphore_mem>>) src(%dma_wait3A_255 : memref<1048576xf32, #tpu.memory_space<vmem_shared>>) dst(%dma_wait3A_251 : memref<256xf32, #tpu.memory_space<vmem>>)
      %dma_wait3A_256 = arith.constant 256 : i32
      %dma_wait3A_257 = tpu.memref_slice %arg16[%dma_wait3A_256] : memref<512xf32, #tpu.memory_space<vmem>> -> memref<256xf32, #tpu.memory_space<vmem>>
      %dma_wait3A_258 = arith.constant 256 : i32
      %dma_wait3A_259 = tpu.memref_slice %arg8[%dma_wait3A_258] : memref<512xi32, #tpu.memory_space<vmem>> -> memref<256xi32, #tpu.memory_space<vmem>>
      %dma_wait3A_260 = arith.constant 0 : i32
      %dma_wait3A_261 = tpu.memref_slice %arg5[%dma_wait3A_260] : memref<1048576xf32, #tpu.memory_space<vmem_shared>> -> memref<1048576xf32, #tpu.memory_space<vmem_shared>>
      tpu.wait_indirect_dma semaphore(%arg28 : memref<!tpu.dma_semaphore, #tpu.memory_space<semaphore_mem>>) src(%dma_wait3A_261 : memref<1048576xf32, #tpu.memory_space<vmem_shared>>) dst(%dma_wait3A_257 : memref<256xf32, #tpu.memory_space<vmem>>)
      %dma_wait3A_262 = arith.constant 0 : i32
      %dma_wait3A_263 = tpu.memref_slice %arg17[%dma_wait3A_262] : memref<512xf32, #tpu.memory_space<vmem>> -> memref<256xf32, #tpu.memory_space<vmem>>
      %dma_wait3A_264 = arith.constant 0 : i32
      %dma_wait3A_265 = tpu.memref_slice %arg9[%dma_wait3A_264] : memref<512xi32, #tpu.memory_space<vmem>> -> memref<256xi32, #tpu.memory_space<vmem>>
      %dma_wait3A_266 = arith.constant 0 : i32
      %dma_wait3A_267 = tpu.memref_slice %arg5[%dma_wait3A_266] : memref<1048576xf32, #tpu.memory_space<vmem_shared>> -> memref<1048576xf32, #tpu.memory_space<vmem_shared>>
      tpu.wait_indirect_dma semaphore(%arg28 : memref<!tpu.dma_semaphore, #tpu.memory_space<semaphore_mem>>) src(%dma_wait3A_267 : memref<1048576xf32, #tpu.memory_space<vmem_shared>>) dst(%dma_wait3A_263 : memref<256xf32, #tpu.memory_space<vmem>>)
      %dma_wait3A_268 = arith.constant 256 : i32
      %dma_wait3A_269 = tpu.memref_slice %arg17[%dma_wait3A_268] : memref<512xf32, #tpu.memory_space<vmem>> -> memref<256xf32, #tpu.memory_space<vmem>>
      %dma_wait3A_270 = arith.constant 256 : i32
      %dma_wait3A_271 = tpu.memref_slice %arg9[%dma_wait3A_270] : memref<512xi32, #tpu.memory_space<vmem>> -> memref<256xi32, #tpu.memory_space<vmem>>
      %dma_wait3A_272 = arith.constant 0 : i32
      %dma_wait3A_273 = tpu.memref_slice %arg5[%dma_wait3A_272] : memref<1048576xf32, #tpu.memory_space<vmem_shared>> -> memref<1048576xf32, #tpu.memory_space<vmem_shared>>
      tpu.wait_indirect_dma semaphore(%arg28 : memref<!tpu.dma_semaphore, #tpu.memory_space<semaphore_mem>>) src(%dma_wait3A_273 : memref<1048576xf32, #tpu.memory_space<vmem_shared>>) dst(%dma_wait3A_269 : memref<256xf32, #tpu.memory_space<vmem>>)
      %dma_wait3A_274 = arith.constant 0 : i32
      %dma_wait3A_275 = tpu.memref_slice %arg18[%dma_wait3A_274] : memref<512xf32, #tpu.memory_space<vmem>> -> memref<256xf32, #tpu.memory_space<vmem>>
      %dma_wait3A_276 = arith.constant 0 : i32
      %dma_wait3A_277 = tpu.memref_slice %arg8[%dma_wait3A_276] : memref<512xi32, #tpu.memory_space<vmem>> -> memref<256xi32, #tpu.memory_space<vmem>>
      %dma_wait3A_278 = arith.constant 1024 : i32
      %dma_wait3A_279 = tpu.memref_slice %arg5[%dma_wait3A_278] : memref<1048576xf32, #tpu.memory_space<vmem_shared>> -> memref<1047552xf32, #tpu.memory_space<vmem_shared>>
      %dma_wait3A_280 = arith.constant 0 : i32
      %dma_wait3A_281 = tpu.memref_slice %dma_wait3A_279[%dma_wait3A_280] : memref<1047552xf32, #tpu.memory_space<vmem_shared>> -> memref<1047552xf32, #tpu.memory_space<vmem_shared>>
      tpu.wait_indirect_dma semaphore(%arg28 : memref<!tpu.dma_semaphore, #tpu.memory_space<semaphore_mem>>) src(%dma_wait3A_281 : memref<1047552xf32, #tpu.memory_space<vmem_shared>>) dst(%dma_wait3A_275 : memref<256xf32, #tpu.memory_space<vmem>>)
      %dma_wait3A_282 = arith.constant 256 : i32
      %dma_wait3A_283 = tpu.memref_slice %arg18[%dma_wait3A_282] : memref<512xf32, #tpu.memory_space<vmem>> -> memref<256xf32, #tpu.memory_space<vmem>>
      %dma_wait3A_284 = arith.constant 256 : i32
      %dma_wait3A_285 = tpu.memref_slice %arg8[%dma_wait3A_284] : memref<512xi32, #tpu.memory_space<vmem>> -> memref<256xi32, #tpu.memory_space<vmem>>
      %dma_wait3A_286 = arith.constant 1024 : i32
      %dma_wait3A_287 = tpu.memref_slice %arg5[%dma_wait3A_286] : memref<1048576xf32, #tpu.memory_space<vmem_shared>> -> memref<1047552xf32, #tpu.memory_space<vmem_shared>>
      %dma_wait3A_288 = arith.constant 0 : i32
      %dma_wait3A_289 = tpu.memref_slice %dma_wait3A_287[%dma_wait3A_288] : memref<1047552xf32, #tpu.memory_space<vmem_shared>> -> memref<1047552xf32, #tpu.memory_space<vmem_shared>>
      tpu.wait_indirect_dma semaphore(%arg28 : memref<!tpu.dma_semaphore, #tpu.memory_space<semaphore_mem>>) src(%dma_wait3A_289 : memref<1047552xf32, #tpu.memory_space<vmem_shared>>) dst(%dma_wait3A_283 : memref<256xf32, #tpu.memory_space<vmem>>)
      %dma_wait3A_290 = arith.constant 0 : i32
      %dma_wait3A_291 = tpu.memref_slice %arg19[%dma_wait3A_290] : memref<512xf32, #tpu.memory_space<vmem>> -> memref<256xf32, #tpu.memory_space<vmem>>
      %dma_wait3A_292 = arith.constant 0 : i32
      %dma_wait3A_293 = tpu.memref_slice %arg9[%dma_wait3A_292] : memref<512xi32, #tpu.memory_space<vmem>> -> memref<256xi32, #tpu.memory_space<vmem>>
      %dma_wait3A_294 = arith.constant 1024 : i32
      %dma_wait3A_295 = tpu.memref_slice %arg5[%dma_wait3A_294] : memref<1048576xf32, #tpu.memory_space<vmem_shared>> -> memref<1047552xf32, #tpu.memory_space<vmem_shared>>
      %dma_wait3A_296 = arith.constant 0 : i32
      %dma_wait3A_297 = tpu.memref_slice %dma_wait3A_295[%dma_wait3A_296] : memref<1047552xf32, #tpu.memory_space<vmem_shared>> -> memref<1047552xf32, #tpu.memory_space<vmem_shared>>
      tpu.wait_indirect_dma semaphore(%arg28 : memref<!tpu.dma_semaphore, #tpu.memory_space<semaphore_mem>>) src(%dma_wait3A_297 : memref<1047552xf32, #tpu.memory_space<vmem_shared>>) dst(%dma_wait3A_291 : memref<256xf32, #tpu.memory_space<vmem>>)
      %dma_wait3A_298 = arith.constant 256 : i32
      %dma_wait3A_299 = tpu.memref_slice %arg19[%dma_wait3A_298] : memref<512xf32, #tpu.memory_space<vmem>> -> memref<256xf32, #tpu.memory_space<vmem>>
      %dma_wait3A_300 = arith.constant 256 : i32
      %dma_wait3A_301 = tpu.memref_slice %arg9[%dma_wait3A_300] : memref<512xi32, #tpu.memory_space<vmem>> -> memref<256xi32, #tpu.memory_space<vmem>>
      %dma_wait3A_302 = arith.constant 1024 : i32
      %dma_wait3A_303 = tpu.memref_slice %arg5[%dma_wait3A_302] : memref<1048576xf32, #tpu.memory_space<vmem_shared>> -> memref<1047552xf32, #tpu.memory_space<vmem_shared>>
      %dma_wait3A_304 = arith.constant 0 : i32
      %dma_wait3A_305 = tpu.memref_slice %dma_wait3A_303[%dma_wait3A_304] : memref<1047552xf32, #tpu.memory_space<vmem_shared>> -> memref<1047552xf32, #tpu.memory_space<vmem_shared>>
      tpu.wait_indirect_dma semaphore(%arg28 : memref<!tpu.dma_semaphore, #tpu.memory_space<semaphore_mem>>) src(%dma_wait3A_305 : memref<1047552xf32, #tpu.memory_space<vmem_shared>>) dst(%dma_wait3A_299 : memref<256xf32, #tpu.memory_space<vmem>>)
      %ge3A_306 = arith.constant 3 : i32
      %ge3A_307 = arith.cmpi sge, %add3A_176, %ge3A_306 : i32
      %convert_element_type3A_308 = arith.extui %ge3A_307 : i1 to i32
      %cond3A_309 = arith.constant 0 : i32
      %cond3A_310 = arith.cmpi ne, %convert_element_type3A_308, %cond3A_309 : i32
      scf.if %cond3A_310 {
        %sub3A_323 = arith.constant 3 : i32
        %sub3A_324 = arith.subi %add3A_176, %sub3A_323 : i32
        %mul3A_325 = arith.constant 32768 : i32
        %mul3A_326 = arith.muli %sub3A_324, %mul3A_325 : i32
        %add3A_327 = arith.addi %mul3A_326, %mul3A_2 : i32
        %dma_wait3A_328 = tpu.memref_slice %arg4[%add3A_327] : memref<6553600xf32, #tpu.memory_space<hbm>> -> memref<1024xf32, #tpu.memory_space<hbm>>
        %dma_wait3A_329 = tpu.memref_slice %arg4[%add3A_327] : memref<6553600xf32, #tpu.memory_space<hbm>> -> memref<1024xf32, #tpu.memory_space<hbm>>
        tpu.wait_dma2 semaphore(%arg30 : memref<!tpu.dma_semaphore, #tpu.memory_space<semaphore_mem>>) src(%arg24 : memref<1024xf32, #tpu.memory_space<vmem>>) dst(%dma_wait3A_329 : memref<1024xf32, #tpu.memory_space<hbm>>)
      } else {
      }
      %scan3A_311 = arith.constant 0 : i32
      %scan3A_312 = arith.constant 0 : i32
      %scan3A_313 = arith.constant 16 : i32
      %scan3A_314 = arith.addi %scan3A_312, %scan3A_313 : i32
      %scan3A_315 = arith.constant 1 : i32
      scf.for %scan3A_323 = %scan3A_312 to %scan3A_314 step %scan3A_315  : i32 {
        %mul3A_324 = arith.constant 2 : i32
        %mul3A_325 = arith.muli %scan3A_323, %mul3A_324 : i32
        %add3A_326 = arith.constant 0 : i32
        %add3A_327 = arith.addi %mul3A_325, %add3A_326 : i32
        %mul3A_328 = arith.constant 16 : i32
        %mul3A_329 = arith.muli %add3A_327, %mul3A_328 : i32
        %get3A = arith.index_cast %mul3A_329 : i32 to index
        %get3A_330 = tpu.vector_load %arg12[%get3A] {strides = array<i32>} : memref<512xf32, #tpu.memory_space<vmem>>, vector<16xf32>,
        %get3A_331 = arith.index_cast %mul3A_329 : i32 to index
        %get3A_332 = tpu.vector_load %arg13[%get3A_331] {strides = array<i32>} : memref<512xf32, #tpu.memory_space<vmem>>, vector<16xf32>,
        %get3A_333 = arith.index_cast %mul3A_329 : i32 to index
        %get3A_334 = tpu.vector_load %arg16[%get3A_333] {strides = array<i32>} : memref<512xf32, #tpu.memory_space<vmem>>, vector<16xf32>,
        %bitcast3A = vector.bitcast %get3A_334 : vector<16xf32> to vector<16xi32>
        %get3A_335 = arith.index_cast %mul3A_329 : i32 to index
        %get3A_336 = tpu.vector_load %arg17[%get3A_335] {strides = array<i32>} : memref<512xf32, #tpu.memory_space<vmem>>, vector<16xf32>,
        %bitcast3A_337 = vector.bitcast %get3A_336 : vector<16xf32> to vector<16xi32>
        %get3A_338 = arith.index_cast %mul3A_329 : i32 to index
        %get3A_339 = tpu.vector_load %arg18[%get3A_338] {strides = array<i32>} : memref<512xf32, #tpu.memory_space<vmem>>, vector<16xf32>,
        %bitcast3A_340 = vector.bitcast %get3A_339 : vector<16xf32> to vector<16xi32>
        %get3A_341 = arith.index_cast %mul3A_329 : i32 to index
        %get3A_342 = tpu.vector_load %arg19[%get3A_341] {strides = array<i32>} : memref<512xf32, #tpu.memory_space<vmem>>, vector<16xf32>,
        %bitcast3A_343 = vector.bitcast %get3A_342 : vector<16xf32> to vector<16xi32>
        %shift_left3A = arith.constant 16 : i32
        %shift_left3A_344 = vector.broadcast %shift_left3A : i32 to vector<16xi32>
        %shift_left3A_345 = arith.shli %bitcast3A, %shift_left3A_344 : vector<16xi32>
        %bitcast3A_346 = vector.bitcast %shift_left3A_345 : vector<16xi32> to vector<16xf32>
        %shift_left3A_347 = arith.constant 16 : i32
        %shift_left3A_348 = vector.broadcast %shift_left3A_347 : i32 to vector<16xi32>
        %shift_left3A_349 = arith.shli %bitcast3A_337, %shift_left3A_348 : vector<16xi32>
        %bitcast3A_350 = vector.bitcast %shift_left3A_349 : vector<16xi32> to vector<16xf32>
        %shift_left3A_351 = arith.constant 16 : i32
        %shift_left3A_352 = vector.broadcast %shift_left3A_351 : i32 to vector<16xi32>
        %shift_left3A_353 = arith.shli %bitcast3A_340, %shift_left3A_352 : vector<16xi32>
        %bitcast3A_354 = vector.bitcast %shift_left3A_353 : vector<16xi32> to vector<16xf32>
        %shift_left3A_355 = arith.constant 16 : i32
        %shift_left3A_356 = vector.broadcast %shift_left3A_355 : i32 to vector<16xi32>
        %shift_left3A_357 = arith.shli %bitcast3A_343, %shift_left3A_356 : vector<16xi32>
        %bitcast3A_358 = vector.bitcast %shift_left3A_357 : vector<16xi32> to vector<16xf32>
        %and3A = arith.constant -65536 : i32
        %and3A_359 = vector.broadcast %and3A : i32 to vector<16xi32>
        %and3A_360 = arith.andi %bitcast3A, %and3A_359 : vector<16xi32>
        %bitcast3A_361 = vector.bitcast %and3A_360 : vector<16xi32> to vector<16xf32>
        %and3A_362 = arith.constant -65536 : i32
        %and3A_363 = vector.broadcast %and3A_362 : i32 to vector<16xi32>
        %and3A_364 = arith.andi %bitcast3A_337, %and3A_363 : vector<16xi32>
        %bitcast3A_365 = vector.bitcast %and3A_364 : vector<16xi32> to vector<16xf32>
        %and3A_366 = arith.constant -65536 : i32
        %and3A_367 = vector.broadcast %and3A_366 : i32 to vector<16xi32>
        %and3A_368 = arith.andi %bitcast3A_340, %and3A_367 : vector<16xi32>
        %bitcast3A_369 = vector.bitcast %and3A_368 : vector<16xi32> to vector<16xf32>
        %and3A_370 = arith.constant -65536 : i32
        %and3A_371 = vector.broadcast %and3A_370 : i32 to vector<16xi32>
        %and3A_372 = arith.andi %bitcast3A_343, %and3A_371 : vector<16xi32>
        %bitcast3A_373 = vector.bitcast %and3A_372 : vector<16xi32> to vector<16xf32>
        %sub3A_374 = arith.subf %bitcast3A_350, %bitcast3A_346 : vector<16xf32>
        %mul3A_375 = arith.mulf %get3A_330, %sub3A_374 : vector<16xf32>
        %add3A_376 = arith.addf %bitcast3A_346, %mul3A_375 : vector<16xf32>
        %sub3A_377 = arith.subf %bitcast3A_358, %bitcast3A_354 : vector<16xf32>
        %mul3A_378 = arith.mulf %get3A_330, %sub3A_377 : vector<16xf32>
        %add3A_379 = arith.addf %bitcast3A_354, %mul3A_378 : vector<16xf32>
        %sub3A_380 = arith.subf %bitcast3A_365, %bitcast3A_361 : vector<16xf32>
        %mul3A_381 = arith.mulf %get3A_330, %sub3A_380 : vector<16xf32>
        %add3A_382 = arith.addf %bitcast3A_361, %mul3A_381 : vector<16xf32>
        %sub3A_383 = arith.subf %bitcast3A_373, %bitcast3A_369 : vector<16xf32>
        %mul3A_384 = arith.mulf %get3A_330, %sub3A_383 : vector<16xf32>
        %add3A_385 = arith.addf %bitcast3A_369, %mul3A_384 : vector<16xf32>
        %jit3A = arith.constant 8 : i32
        %div3A = arith.divsi %add3A_327, %jit3A : i32
        %sign3A = arith.constant 0 : i32
        %sign3A_386 = arith.cmpi sgt, %add3A_327, %sign3A : i32
        %sign3A_387 = arith.extui %sign3A_386 : i1 to i32
        %sign3A_388 = arith.constant 0 : i32
        %sign3A_389 = arith.cmpi slt, %add3A_327, %sign3A_388 : i32
        %sign3A_390 = arith.extui %sign3A_389 : i1 to i32
        %sign3A_391 = arith.subi %sign3A_387, %sign3A_390 : i32
        %sign3A_392 = arith.constant 0 : i32
        %sign3A_393 = arith.cmpi sgt, %jit3A, %sign3A_392 : i32
        %sign3A_394 = arith.extui %sign3A_393 : i1 to i32
        %sign3A_395 = arith.constant 0 : i32
        %sign3A_396 = arith.cmpi slt, %jit3A, %sign3A_395 : i32
        %sign3A_397 = arith.extui %sign3A_396 : i1 to i32
        %sign3A_398 = arith.subi %sign3A_394, %sign3A_397 : i32
        %ne3A = arith.cmpi ne, %sign3A_391, %sign3A_398 : i32
        %rem3A = arith.remsi %add3A_327, %jit3A : i32
        %ne3A_399 = arith.constant 0 : i32
        %ne3A_400 = arith.cmpi ne, %rem3A, %ne3A_399 : i32
        %and3A_401 = arith.andi %ne3A, %ne3A_400 : i1
        %sub3A_402 = arith.constant 1 : i32
        %sub3A_403 = arith.subi %div3A, %sub3A_402 : i32
        %select_n3A = arith.select %and3A_401, %sub3A_403, %div3A : i32
        %mul3A_404 = arith.constant 256 : i32
        %mul3A_405 = arith.muli %select_n3A, %mul3A_404 : i32
        %jit3A_406 = arith.constant 8 : i32
        %eq3A = arith.constant 0 : i32
        %eq3A_407 = arith.cmpi eq, %jit3A_406, %eq3A : i32
        %jit3A_408 = arith.constant 1 : i32
        %select_n3A_409 = arith.select %eq3A_407, %jit3A_408, %jit3A_406 : i32
        %rem3A_410 = arith.remsi %add3A_327, %select_n3A_409 : i32
        %ne3A_411 = arith.constant 0 : i32
        %ne3A_412 = arith.cmpi ne, %rem3A_410, %ne3A_411 : i32
        %lt3A_413 = arith.constant 0 : i32
        %lt3A_414 = arith.cmpi slt, %rem3A_410, %lt3A_413 : i32
        %lt3A_415 = arith.constant 0 : i32
        %lt3A_416 = arith.cmpi slt, %select_n3A_409, %lt3A_415 : i32
        %ne3A_417 = arith.xori %lt3A_414, %lt3A_416 : i1
        %and3A_418 = arith.andi %ne3A_417, %ne3A_412 : i1
        %add3A_419 = arith.addi %rem3A_410, %select_n3A_409 : i32
        %select_n3A_420 = arith.select %and3A_418, %add3A_419, %rem3A_410 : i32
        %mul3A_421 = arith.constant 16 : i32
        %mul3A_422 = arith.muli %select_n3A_420, %mul3A_421 : i32
        %add3A_423 = arith.addi %mul3A_405, %mul3A_422 : i32
        %sub3A_424 = arith.subf %add3A_379, %add3A_376 : vector<16xf32>
        %mul3A_425 = arith.mulf %get3A_332, %sub3A_424 : vector<16xf32>
        %add3A_426 = arith.addf %add3A_376, %mul3A_425 : vector<16xf32>
        %swap3A = arith.index_cast %add3A_423 : i32 to index
        %swap3A_427 = tpu.vector_load %arg24[%swap3A] {strides = array<i32>} : memref<1024xf32, #tpu.memory_space<vmem>>, vector<16xf32>,
        tpu.vector_store %arg24[%swap3A], %add3A_426 {strides = array<i32>} : memref<1024xf32, #tpu.memory_space<vmem>>, vector<16xf32>,
        %sub3A_428 = arith.subf %add3A_385, %add3A_382 : vector<16xf32>
        %mul3A_429 = arith.mulf %get3A_332, %sub3A_428 : vector<16xf32>
        %add3A_430 = arith.addf %add3A_382, %mul3A_429 : vector<16xf32>
        %add3A_431 = arith.constant 128 : i32
        %add3A_432 = arith.addi %add3A_423, %add3A_431 : i32
        %swap3A_433 = arith.index_cast %add3A_432 : i32 to index
        %swap3A_434 = tpu.vector_load %arg24[%swap3A_433] {strides = array<i32>} : memref<1024xf32, #tpu.memory_space<vmem>>, vector<16xf32>,
        tpu.vector_store %arg24[%swap3A_433], %add3A_430 {strides = array<i32>} : memref<1024xf32, #tpu.memory_space<vmem>>, vector<16xf32>,
        %mul3A_435 = arith.constant 2 : i32
        %mul3A_436 = arith.muli %scan3A_323, %mul3A_435 : i32
        %add3A_437 = arith.constant 1 : i32
        %add3A_438 = arith.addi %mul3A_436, %add3A_437 : i32
        %mul3A_439 = arith.constant 16 : i32
        %mul3A_440 = arith.muli %add3A_438, %mul3A_439 : i32
        %get3A_441 = arith.index_cast %mul3A_440 : i32 to index
        %get3A_442 = tpu.vector_load %arg12[%get3A_441] {strides = array<i32>} : memref<512xf32, #tpu.memory_space<vmem>>, vector<16xf32>,
        %get3A_443 = arith.index_cast %mul3A_440 : i32 to index
        %get3A_444 = tpu.vector_load %arg13[%get3A_443] {strides = array<i32>} : memref<512xf32, #tpu.memory_space<vmem>>, vector<16xf32>,
        %get3A_445 = arith.index_cast %mul3A_440 : i32 to index
        %get3A_446 = tpu.vector_load %arg16[%get3A_445] {strides = array<i32>} : memref<512xf32, #tpu.memory_space<vmem>>, vector<16xf32>,
        %bitcast3A_447 = vector.bitcast %get3A_446 : vector<16xf32> to vector<16xi32>
        %get3A_448 = arith.index_cast %mul3A_440 : i32 to index
        %get3A_449 = tpu.vector_load %arg17[%get3A_448] {strides = array<i32>} : memref<512xf32, #tpu.memory_space<vmem>>, vector<16xf32>,
        %bitcast3A_450 = vector.bitcast %get3A_449 : vector<16xf32> to vector<16xi32>
        %get3A_451 = arith.index_cast %mul3A_440 : i32 to index
        %get3A_452 = tpu.vector_load %arg18[%get3A_451] {strides = array<i32>} : memref<512xf32, #tpu.memory_space<vmem>>, vector<16xf32>,
        %bitcast3A_453 = vector.bitcast %get3A_452 : vector<16xf32> to vector<16xi32>
        %get3A_454 = arith.index_cast %mul3A_440 : i32 to index
        %get3A_455 = tpu.vector_load %arg19[%get3A_454] {strides = array<i32>} : memref<512xf32, #tpu.memory_space<vmem>>, vector<16xf32>,
        %bitcast3A_456 = vector.bitcast %get3A_455 : vector<16xf32> to vector<16xi32>
        %shift_left3A_457 = arith.constant 16 : i32
        %shift_left3A_458 = vector.broadcast %shift_left3A_457 : i32 to vector<16xi32>
        %shift_left3A_459 = arith.shli %bitcast3A_447, %shift_left3A_458 : vector<16xi32>
        %bitcast3A_460 = vector.bitcast %shift_left3A_459 : vector<16xi32> to vector<16xf32>
        %shift_left3A_461 = arith.constant 16 : i32
        %shift_left3A_462 = vector.broadcast %shift_left3A_461 : i32 to vector<16xi32>
        %shift_left3A_463 = arith.shli %bitcast3A_450, %shift_left3A_462 : vector<16xi32>
        %bitcast3A_464 = vector.bitcast %shift_left3A_463 : vector<16xi32> to vector<16xf32>
        %shift_left3A_465 = arith.constant 16 : i32
        %shift_left3A_466 = vector.broadcast %shift_left3A_465 : i32 to vector<16xi32>
        %shift_left3A_467 = arith.shli %bitcast3A_453, %shift_left3A_466 : vector<16xi32>
        %bitcast3A_468 = vector.bitcast %shift_left3A_467 : vector<16xi32> to vector<16xf32>
        %shift_left3A_469 = arith.constant 16 : i32
        %shift_left3A_470 = vector.broadcast %shift_left3A_469 : i32 to vector<16xi32>
        %shift_left3A_471 = arith.shli %bitcast3A_456, %shift_left3A_470 : vector<16xi32>
        %bitcast3A_472 = vector.bitcast %shift_left3A_471 : vector<16xi32> to vector<16xf32>
        %and3A_473 = arith.constant -65536 : i32
        %and3A_474 = vector.broadcast %and3A_473 : i32 to vector<16xi32>
        %and3A_475 = arith.andi %bitcast3A_447, %and3A_474 : vector<16xi32>
        %bitcast3A_476 = vector.bitcast %and3A_475 : vector<16xi32> to vector<16xf32>
        %and3A_477 = arith.constant -65536 : i32
        %and3A_478 = vector.broadcast %and3A_477 : i32 to vector<16xi32>
        %and3A_479 = arith.andi %bitcast3A_450, %and3A_478 : vector<16xi32>
        %bitcast3A_480 = vector.bitcast %and3A_479 : vector<16xi32> to vector<16xf32>
        %and3A_481 = arith.constant -65536 : i32
        %and3A_482 = vector.broadcast %and3A_481 : i32 to vector<16xi32>
        %and3A_483 = arith.andi %bitcast3A_453, %and3A_482 : vector<16xi32>
        %bitcast3A_484 = vector.bitcast %and3A_483 : vector<16xi32> to vector<16xf32>
        %and3A_485 = arith.constant -65536 : i32
        %and3A_486 = vector.broadcast %and3A_485 : i32 to vector<16xi32>
        %and3A_487 = arith.andi %bitcast3A_456, %and3A_486 : vector<16xi32>
        %bitcast3A_488 = vector.bitcast %and3A_487 : vector<16xi32> to vector<16xf32>
        %sub3A_489 = arith.subf %bitcast3A_464, %bitcast3A_460 : vector<16xf32>
        %mul3A_490 = arith.mulf %get3A_442, %sub3A_489 : vector<16xf32>
        %add3A_491 = arith.addf %bitcast3A_460, %mul3A_490 : vector<16xf32>
        %sub3A_492 = arith.subf %bitcast3A_472, %bitcast3A_468 : vector<16xf32>
        %mul3A_493 = arith.mulf %get3A_442, %sub3A_492 : vector<16xf32>
        %add3A_494 = arith.addf %bitcast3A_468, %mul3A_493 : vector<16xf32>
        %sub3A_495 = arith.subf %bitcast3A_480, %bitcast3A_476 : vector<16xf32>
        %mul3A_496 = arith.mulf %get3A_442, %sub3A_495 : vector<16xf32>
        %add3A_497 = arith.addf %bitcast3A_476, %mul3A_496 : vector<16xf32>
        %sub3A_498 = arith.subf %bitcast3A_488, %bitcast3A_484 : vector<16xf32>
        %mul3A_499 = arith.mulf %get3A_442, %sub3A_498 : vector<16xf32>
        %add3A_500 = arith.addf %bitcast3A_484, %mul3A_499 : vector<16xf32>
        %jit3A_501 = arith.constant 8 : i32
        %div3A_502 = arith.divsi %add3A_438, %jit3A_501 : i32
        %sign3A_503 = arith.constant 0 : i32
        %sign3A_504 = arith.cmpi sgt, %add3A_438, %sign3A_503 : i32
        %sign3A_505 = arith.extui %sign3A_504 : i1 to i32
        %sign3A_506 = arith.constant 0 : i32
        %sign3A_507 = arith.cmpi slt, %add3A_438, %sign3A_506 : i32
        %sign3A_508 = arith.extui %sign3A_507 : i1 to i32
        %sign3A_509 = arith.subi %sign3A_505, %sign3A_508 : i32
        %sign3A_510 = arith.constant 0 : i32
        %sign3A_511 = arith.cmpi sgt, %jit3A_501, %sign3A_510 : i32
        %sign3A_512 = arith.extui %sign3A_511 : i1 to i32
        %sign3A_513 = arith.constant 0 : i32
        %sign3A_514 = arith.cmpi slt, %jit3A_501, %sign3A_513 : i32
        %sign3A_515 = arith.extui %sign3A_514 : i1 to i32
        %sign3A_516 = arith.subi %sign3A_512, %sign3A_515 : i32
        %ne3A_517 = arith.cmpi ne, %sign3A_509, %sign3A_516 : i32
        %rem3A_518 = arith.remsi %add3A_438, %jit3A_501 : i32
        %ne3A_519 = arith.constant 0 : i32
        %ne3A_520 = arith.cmpi ne, %rem3A_518, %ne3A_519 : i32
        %and3A_521 = arith.andi %ne3A_517, %ne3A_520 : i1
        %sub3A_522 = arith.constant 1 : i32
        %sub3A_523 = arith.subi %div3A_502, %sub3A_522 : i32
        %select_n3A_524 = arith.select %and3A_521, %sub3A_523, %div3A_502 : i32
        %mul3A_525 = arith.constant 256 : i32
        %mul3A_526 = arith.muli %select_n3A_524, %mul3A_525 : i32
        %jit3A_527 = arith.constant 8 : i32
        %eq3A_528 = arith.constant 0 : i32
        %eq3A_529 = arith.cmpi eq, %jit3A_527, %eq3A_528 : i32
        %jit3A_530 = arith.constant 1 : i32
        %select_n3A_531 = arith.select %eq3A_529, %jit3A_530, %jit3A_527 : i32
        %rem3A_532 = arith.remsi %add3A_438, %select_n3A_531 : i32
        %ne3A_533 = arith.constant 0 : i32
        %ne3A_534 = arith.cmpi ne, %rem3A_532, %ne3A_533 : i32
        %lt3A_535 = arith.constant 0 : i32
        %lt3A_536 = arith.cmpi slt, %rem3A_532, %lt3A_535 : i32
        %lt3A_537 = arith.constant 0 : i32
        %lt3A_538 = arith.cmpi slt, %select_n3A_531, %lt3A_537 : i32
        %ne3A_539 = arith.xori %lt3A_536, %lt3A_538 : i1
        %and3A_540 = arith.andi %ne3A_539, %ne3A_534 : i1
        %add3A_541 = arith.addi %rem3A_532, %select_n3A_531 : i32
        %select_n3A_542 = arith.select %and3A_540, %add3A_541, %rem3A_532 : i32
        %mul3A_543 = arith.constant 16 : i32
        %mul3A_544 = arith.muli %select_n3A_542, %mul3A_543 : i32
        %add3A_545 = arith.addi %mul3A_526, %mul3A_544 : i32
        %sub3A_546 = arith.subf %add3A_494, %add3A_491 : vector<16xf32>
        %mul3A_547 = arith.mulf %get3A_444, %sub3A_546 : vector<16xf32>
        %add3A_548 = arith.addf %add3A_491, %mul3A_547 : vector<16xf32>
        %swap3A_549 = arith.index_cast %add3A_545 : i32 to index
        %swap3A_550 = tpu.vector_load %arg24[%swap3A_549] {strides = array<i32>} : memref<1024xf32, #tpu.memory_space<vmem>>, vector<16xf32>,
        tpu.vector_store %arg24[%swap3A_549], %add3A_548 {strides = array<i32>} : memref<1024xf32, #tpu.memory_space<vmem>>, vector<16xf32>,
        %sub3A_551 = arith.subf %add3A_500, %add3A_497 : vector<16xf32>
        %mul3A_552 = arith.mulf %get3A_444, %sub3A_551 : vector<16xf32>
        %add3A_553 = arith.addf %add3A_497, %mul3A_552 : vector<16xf32>
        %add3A_554 = arith.constant 128 : i32
        %add3A_555 = arith.addi %add3A_545, %add3A_554 : i32
        %swap3A_556 = arith.index_cast %add3A_555 : i32 to index
        %swap3A_557 = tpu.vector_load %arg24[%swap3A_556] {strides = array<i32>} : memref<1024xf32, #tpu.memory_space<vmem>>, vector<16xf32>,
        tpu.vector_store %arg24[%swap3A_556], %add3A_553 {strides = array<i32>} : memref<1024xf32, #tpu.memory_space<vmem>>, vector<16xf32>,
      }
      %scan3A_316 = arith.constant 16 : i32
      %sub3A = arith.constant 1 : i32
      %sub3A_317 = arith.subi %add3A_176, %sub3A : i32
      %mul3A_318 = arith.constant 32768 : i32
      %mul3A_319 = arith.muli %sub3A_317, %mul3A_318 : i32
      %add3A_320 = arith.addi %mul3A_319, %mul3A_2 : i32
      %dma_start3A_321 = tpu.memref_slice %arg4[%add3A_320] : memref<6553600xf32, #tpu.memory_space<hbm>> -> memref<1024xf32, #tpu.memory_space<hbm>>
      %dma_start3A_322 = tpu.memref_slice %arg4[%add3A_320] : memref<6553600xf32, #tpu.memory_space<hbm>> -> memref<1024xf32, #tpu.memory_space<hbm>>
      tpu.enqueue_dma source(%arg24 : memref<1024xf32, #tpu.memory_space<vmem>>) target(%dma_start3A_322 : memref<1024xf32, #tpu.memory_space<hbm>>) target_semaphore(%arg30 : memref<!tpu.dma_semaphore, #tpu.memory_space<semaphore_mem>>)
    }
    %scan3A_14 = arith.constant 100 : i32
    %dma_wait3A = arith.constant 0 : i32
    %dma_wait3A_15 = tpu.memref_slice %arg20[%dma_wait3A] : memref<512xf32, #tpu.memory_space<vmem>> -> memref<256xf32, #tpu.memory_space<vmem>>
    %dma_wait3A_16 = arith.constant 0 : i32
    %dma_wait3A_17 = tpu.memref_slice %arg10[%dma_wait3A_16] : memref<512xi32, #tpu.memory_space<vmem>> -> memref<256xi32, #tpu.memory_space<vmem>>
    %dma_wait3A_18 = arith.constant 0 : i32
    %dma_wait3A_19 = tpu.memref_slice %arg5[%dma_wait3A_18] : memref<1048576xf32, #tpu.memory_space<vmem_shared>> -> memref<1048576xf32, #tpu.memory_space<vmem_shared>>
    tpu.wait_indirect_dma semaphore(%arg29 : memref<!tpu.dma_semaphore, #tpu.memory_space<semaphore_mem>>) src(%dma_wait3A_19 : memref<1048576xf32, #tpu.memory_space<vmem_shared>>) dst(%dma_wait3A_15 : memref<256xf32, #tpu.memory_space<vmem>>)
    %dma_wait3A_20 = arith.constant 256 : i32
    %dma_wait3A_21 = tpu.memref_slice %arg20[%dma_wait3A_20] : memref<512xf32, #tpu.memory_space<vmem>> -> memref<256xf32, #tpu.memory_space<vmem>>
    %dma_wait3A_22 = arith.constant 256 : i32
    %dma_wait3A_23 = tpu.memref_slice %arg10[%dma_wait3A_22] : memref<512xi32, #tpu.memory_space<vmem>> -> memref<256xi32, #tpu.memory_space<vmem>>
    %dma_wait3A_24 = arith.constant 0 : i32
    %dma_wait3A_25 = tpu.memref_slice %arg5[%dma_wait3A_24] : memref<1048576xf32, #tpu.memory_space<vmem_shared>> -> memref<1048576xf32, #tpu.memory_space<vmem_shared>>
    tpu.wait_indirect_dma semaphore(%arg29 : memref<!tpu.dma_semaphore, #tpu.memory_space<semaphore_mem>>) src(%dma_wait3A_25 : memref<1048576xf32, #tpu.memory_space<vmem_shared>>) dst(%dma_wait3A_21 : memref<256xf32, #tpu.memory_space<vmem>>)
    %dma_wait3A_26 = arith.constant 0 : i32
    %dma_wait3A_27 = tpu.memref_slice %arg21[%dma_wait3A_26] : memref<512xf32, #tpu.memory_space<vmem>> -> memref<256xf32, #tpu.memory_space<vmem>>
    %dma_wait3A_28 = arith.constant 0 : i32
    %dma_wait3A_29 = tpu.memref_slice %arg11[%dma_wait3A_28] : memref<512xi32, #tpu.memory_space<vmem>> -> memref<256xi32, #tpu.memory_space<vmem>>
    %dma_wait3A_30 = arith.constant 0 : i32
    %dma_wait3A_31 = tpu.memref_slice %arg5[%dma_wait3A_30] : memref<1048576xf32, #tpu.memory_space<vmem_shared>> -> memref<1048576xf32, #tpu.memory_space<vmem_shared>>
    tpu.wait_indirect_dma semaphore(%arg29 : memref<!tpu.dma_semaphore, #tpu.memory_space<semaphore_mem>>) src(%dma_wait3A_31 : memref<1048576xf32, #tpu.memory_space<vmem_shared>>) dst(%dma_wait3A_27 : memref<256xf32, #tpu.memory_space<vmem>>)
    %dma_wait3A_32 = arith.constant 256 : i32
    %dma_wait3A_33 = tpu.memref_slice %arg21[%dma_wait3A_32] : memref<512xf32, #tpu.memory_space<vmem>> -> memref<256xf32, #tpu.memory_space<vmem>>
    %dma_wait3A_34 = arith.constant 256 : i32
    %dma_wait3A_35 = tpu.memref_slice %arg11[%dma_wait3A_34] : memref<512xi32, #tpu.memory_space<vmem>> -> memref<256xi32, #tpu.memory_space<vmem>>
    %dma_wait3A_36 = arith.constant 0 : i32
    %dma_wait3A_37 = tpu.memref_slice %arg5[%dma_wait3A_36] : memref<1048576xf32, #tpu.memory_space<vmem_shared>> -> memref<1048576xf32, #tpu.memory_space<vmem_shared>>
    tpu.wait_indirect_dma semaphore(%arg29 : memref<!tpu.dma_semaphore, #tpu.memory_space<semaphore_mem>>) src(%dma_wait3A_37 : memref<1048576xf32, #tpu.memory_space<vmem_shared>>) dst(%dma_wait3A_33 : memref<256xf32, #tpu.memory_space<vmem>>)
    %dma_wait3A_38 = arith.constant 0 : i32
    %dma_wait3A_39 = tpu.memref_slice %arg22[%dma_wait3A_38] : memref<512xf32, #tpu.memory_space<vmem>> -> memref<256xf32, #tpu.memory_space<vmem>>
    %dma_wait3A_40 = arith.constant 0 : i32
    %dma_wait3A_41 = tpu.memref_slice %arg10[%dma_wait3A_40] : memref<512xi32, #tpu.memory_space<vmem>> -> memref<256xi32, #tpu.memory_space<vmem>>
    %dma_wait3A_42 = arith.constant 1024 : i32
    %dma_wait3A_43 = tpu.memref_slice %arg5[%dma_wait3A_42] : memref<1048576xf32, #tpu.memory_space<vmem_shared>> -> memref<1047552xf32, #tpu.memory_space<vmem_shared>>
    %dma_wait3A_44 = arith.constant 0 : i32
    %dma_wait3A_45 = tpu.memref_slice %dma_wait3A_43[%dma_wait3A_44] : memref<1047552xf32, #tpu.memory_space<vmem_shared>> -> memref<1047552xf32, #tpu.memory_space<vmem_shared>>
    tpu.wait_indirect_dma semaphore(%arg29 : memref<!tpu.dma_semaphore, #tpu.memory_space<semaphore_mem>>) src(%dma_wait3A_45 : memref<1047552xf32, #tpu.memory_space<vmem_shared>>) dst(%dma_wait3A_39 : memref<256xf32, #tpu.memory_space<vmem>>)
    %dma_wait3A_46 = arith.constant 256 : i32
    %dma_wait3A_47 = tpu.memref_slice %arg22[%dma_wait3A_46] : memref<512xf32, #tpu.memory_space<vmem>> -> memref<256xf32, #tpu.memory_space<vmem>>
    %dma_wait3A_48 = arith.constant 256 : i32
    %dma_wait3A_49 = tpu.memref_slice %arg10[%dma_wait3A_48] : memref<512xi32, #tpu.memory_space<vmem>> -> memref<256xi32, #tpu.memory_space<vmem>>
    %dma_wait3A_50 = arith.constant 1024 : i32
    %dma_wait3A_51 = tpu.memref_slice %arg5[%dma_wait3A_50] : memref<1048576xf32, #tpu.memory_space<vmem_shared>> -> memref<1047552xf32, #tpu.memory_space<vmem_shared>>
    %dma_wait3A_52 = arith.constant 0 : i32
    %dma_wait3A_53 = tpu.memref_slice %dma_wait3A_51[%dma_wait3A_52] : memref<1047552xf32, #tpu.memory_space<vmem_shared>> -> memref<1047552xf32, #tpu.memory_space<vmem_shared>>
    tpu.wait_indirect_dma semaphore(%arg29 : memref<!tpu.dma_semaphore, #tpu.memory_space<semaphore_mem>>) src(%dma_wait3A_53 : memref<1047552xf32, #tpu.memory_space<vmem_shared>>) dst(%dma_wait3A_47 : memref<256xf32, #tpu.memory_space<vmem>>)
    %dma_wait3A_54 = arith.constant 0 : i32
    %dma_wait3A_55 = tpu.memref_slice %arg23[%dma_wait3A_54] : memref<512xf32, #tpu.memory_space<vmem>> -> memref<256xf32, #tpu.memory_space<vmem>>
    %dma_wait3A_56 = arith.constant 0 : i32
    %dma_wait3A_57 = tpu.memref_slice %arg11[%dma_wait3A_56] : memref<512xi32, #tpu.memory_space<vmem>> -> memref<256xi32, #tpu.memory_space<vmem>>
    %dma_wait3A_58 = arith.constant 1024 : i32
    %dma_wait3A_59 = tpu.memref_slice %arg5[%dma_wait3A_58] : memref<1048576xf32, #tpu.memory_space<vmem_shared>> -> memref<1047552xf32, #tpu.memory_space<vmem_shared>>
    %dma_wait3A_60 = arith.constant 0 : i32
    %dma_wait3A_61 = tpu.memref_slice %dma_wait3A_59[%dma_wait3A_60] : memref<1047552xf32, #tpu.memory_space<vmem_shared>> -> memref<1047552xf32, #tpu.memory_space<vmem_shared>>
    tpu.wait_indirect_dma semaphore(%arg29 : memref<!tpu.dma_semaphore, #tpu.memory_space<semaphore_mem>>) src(%dma_wait3A_61 : memref<1047552xf32, #tpu.memory_space<vmem_shared>>) dst(%dma_wait3A_55 : memref<256xf32, #tpu.memory_space<vmem>>)
    %dma_wait3A_62 = arith.constant 256 : i32
    %dma_wait3A_63 = tpu.memref_slice %arg23[%dma_wait3A_62] : memref<512xf32, #tpu.memory_space<vmem>> -> memref<256xf32, #tpu.memory_space<vmem>>
    %dma_wait3A_64 = arith.constant 256 : i32
    %dma_wait3A_65 = tpu.memref_slice %arg11[%dma_wait3A_64] : memref<512xi32, #tpu.memory_space<vmem>> -> memref<256xi32, #tpu.memory_space<vmem>>
    %dma_wait3A_66 = arith.constant 1024 : i32
    %dma_wait3A_67 = tpu.memref_slice %arg5[%dma_wait3A_66] : memref<1048576xf32, #tpu.memory_space<vmem_shared>> -> memref<1047552xf32, #tpu.memory_space<vmem_shared>>
    %dma_wait3A_68 = arith.constant 0 : i32
    %dma_wait3A_69 = tpu.memref_slice %dma_wait3A_67[%dma_wait3A_68] : memref<1047552xf32, #tpu.memory_space<vmem_shared>> -> memref<1047552xf32, #tpu.memory_space<vmem_shared>>
    tpu.wait_indirect_dma semaphore(%arg29 : memref<!tpu.dma_semaphore, #tpu.memory_space<semaphore_mem>>) src(%dma_wait3A_69 : memref<1047552xf32, #tpu.memory_space<vmem_shared>>) dst(%dma_wait3A_63 : memref<256xf32, #tpu.memory_space<vmem>>)
    %add3A_70 = arith.constant 6455296 : i32
    %add3A_71 = arith.addi %add3A_70, %mul3A_2 : i32
    %dma_wait3A_72 = tpu.memref_slice %arg4[%add3A_71] : memref<6553600xf32, #tpu.memory_space<hbm>> -> memref<1024xf32, #tpu.memory_space<hbm>>
    %dma_wait3A_73 = tpu.memref_slice %arg4[%add3A_71] : memref<6553600xf32, #tpu.memory_space<hbm>> -> memref<1024xf32, #tpu.memory_space<hbm>>
    tpu.wait_dma2 semaphore(%arg31 : memref<!tpu.dma_semaphore, #tpu.memory_space<semaphore_mem>>) src(%arg25 : memref<1024xf32, #tpu.memory_space<vmem>>) dst(%dma_wait3A_73 : memref<1024xf32, #tpu.memory_space<hbm>>)
    %scan3A_74 = arith.constant 0 : i32
    %scan3A_75 = arith.constant 0 : i32
    %scan3A_76 = arith.constant 16 : i32
    %scan3A_77 = arith.addi %scan3A_75, %scan3A_76 : i32
    %scan3A_78 = arith.constant 1 : i32
    scf.for %scan3A_92 = %scan3A_75 to %scan3A_77 step %scan3A_78  : i32 {
      %mul3A_93 = arith.constant 2 : i32
      %mul3A_94 = arith.muli %scan3A_92, %mul3A_93 : i32
      %add3A_95 = arith.constant 0 : i32
      %add3A_96 = arith.addi %mul3A_94, %add3A_95 : i32
      %mul3A_97 = arith.constant 16 : i32
      %mul3A_98 = arith.muli %add3A_96, %mul3A_97 : i32
      %get3A = arith.index_cast %mul3A_98 : i32 to index
      %get3A_99 = tpu.vector_load %arg14[%get3A] {strides = array<i32>} : memref<512xf32, #tpu.memory_space<vmem>>, vector<16xf32>,
      %get3A_100 = arith.index_cast %mul3A_98 : i32 to index
      %get3A_101 = tpu.vector_load %arg15[%get3A_100] {strides = array<i32>} : memref<512xf32, #tpu.memory_space<vmem>>, vector<16xf32>,
      %get3A_102 = arith.index_cast %mul3A_98 : i32 to index
      %get3A_103 = tpu.vector_load %arg20[%get3A_102] {strides = array<i32>} : memref<512xf32, #tpu.memory_space<vmem>>, vector<16xf32>,
      %bitcast3A = vector.bitcast %get3A_103 : vector<16xf32> to vector<16xi32>
      %get3A_104 = arith.index_cast %mul3A_98 : i32 to index
      %get3A_105 = tpu.vector_load %arg21[%get3A_104] {strides = array<i32>} : memref<512xf32, #tpu.memory_space<vmem>>, vector<16xf32>,
      %bitcast3A_106 = vector.bitcast %get3A_105 : vector<16xf32> to vector<16xi32>
      %get3A_107 = arith.index_cast %mul3A_98 : i32 to index
      %get3A_108 = tpu.vector_load %arg22[%get3A_107] {strides = array<i32>} : memref<512xf32, #tpu.memory_space<vmem>>, vector<16xf32>,
      %bitcast3A_109 = vector.bitcast %get3A_108 : vector<16xf32> to vector<16xi32>
      %get3A_110 = arith.index_cast %mul3A_98 : i32 to index
      %get3A_111 = tpu.vector_load %arg23[%get3A_110] {strides = array<i32>} : memref<512xf32, #tpu.memory_space<vmem>>, vector<16xf32>,
      %bitcast3A_112 = vector.bitcast %get3A_111 : vector<16xf32> to vector<16xi32>
      %shift_left3A = arith.constant 16 : i32
      %shift_left3A_113 = vector.broadcast %shift_left3A : i32 to vector<16xi32>
      %shift_left3A_114 = arith.shli %bitcast3A, %shift_left3A_113 : vector<16xi32>
      %bitcast3A_115 = vector.bitcast %shift_left3A_114 : vector<16xi32> to vector<16xf32>
      %shift_left3A_116 = arith.constant 16 : i32
      %shift_left3A_117 = vector.broadcast %shift_left3A_116 : i32 to vector<16xi32>
      %shift_left3A_118 = arith.shli %bitcast3A_106, %shift_left3A_117 : vector<16xi32>
      %bitcast3A_119 = vector.bitcast %shift_left3A_118 : vector<16xi32> to vector<16xf32>
      %shift_left3A_120 = arith.constant 16 : i32
      %shift_left3A_121 = vector.broadcast %shift_left3A_120 : i32 to vector<16xi32>
      %shift_left3A_122 = arith.shli %bitcast3A_109, %shift_left3A_121 : vector<16xi32>
      %bitcast3A_123 = vector.bitcast %shift_left3A_122 : vector<16xi32> to vector<16xf32>
      %shift_left3A_124 = arith.constant 16 : i32
      %shift_left3A_125 = vector.broadcast %shift_left3A_124 : i32 to vector<16xi32>
      %shift_left3A_126 = arith.shli %bitcast3A_112, %shift_left3A_125 : vector<16xi32>
      %bitcast3A_127 = vector.bitcast %shift_left3A_126 : vector<16xi32> to vector<16xf32>
      %and3A = arith.constant -65536 : i32
      %and3A_128 = vector.broadcast %and3A : i32 to vector<16xi32>
      %and3A_129 = arith.andi %bitcast3A, %and3A_128 : vector<16xi32>
      %bitcast3A_130 = vector.bitcast %and3A_129 : vector<16xi32> to vector<16xf32>
      %and3A_131 = arith.constant -65536 : i32
      %and3A_132 = vector.broadcast %and3A_131 : i32 to vector<16xi32>
      %and3A_133 = arith.andi %bitcast3A_106, %and3A_132 : vector<16xi32>
      %bitcast3A_134 = vector.bitcast %and3A_133 : vector<16xi32> to vector<16xf32>
      %and3A_135 = arith.constant -65536 : i32
      %and3A_136 = vector.broadcast %and3A_135 : i32 to vector<16xi32>
      %and3A_137 = arith.andi %bitcast3A_109, %and3A_136 : vector<16xi32>
      %bitcast3A_138 = vector.bitcast %and3A_137 : vector<16xi32> to vector<16xf32>
      %and3A_139 = arith.constant -65536 : i32
      %and3A_140 = vector.broadcast %and3A_139 : i32 to vector<16xi32>
      %and3A_141 = arith.andi %bitcast3A_112, %and3A_140 : vector<16xi32>
      %bitcast3A_142 = vector.bitcast %and3A_141 : vector<16xi32> to vector<16xf32>
      %sub3A = arith.subf %bitcast3A_119, %bitcast3A_115 : vector<16xf32>
      %mul3A_143 = arith.mulf %get3A_99, %sub3A : vector<16xf32>
      %add3A_144 = arith.addf %bitcast3A_115, %mul3A_143 : vector<16xf32>
      %sub3A_145 = arith.subf %bitcast3A_127, %bitcast3A_123 : vector<16xf32>
      %mul3A_146 = arith.mulf %get3A_99, %sub3A_145 : vector<16xf32>
      %add3A_147 = arith.addf %bitcast3A_123, %mul3A_146 : vector<16xf32>
      %sub3A_148 = arith.subf %bitcast3A_134, %bitcast3A_130 : vector<16xf32>
      %mul3A_149 = arith.mulf %get3A_99, %sub3A_148 : vector<16xf32>
      %add3A_150 = arith.addf %bitcast3A_130, %mul3A_149 : vector<16xf32>
      %sub3A_151 = arith.subf %bitcast3A_142, %bitcast3A_138 : vector<16xf32>
      %mul3A_152 = arith.mulf %get3A_99, %sub3A_151 : vector<16xf32>
      %add3A_153 = arith.addf %bitcast3A_138, %mul3A_152 : vector<16xf32>
      %jit3A = arith.constant 8 : i32
      %div3A = arith.divsi %add3A_96, %jit3A : i32
      %sign3A = arith.constant 0 : i32
      %sign3A_154 = arith.cmpi sgt, %add3A_96, %sign3A : i32
      %sign3A_155 = arith.extui %sign3A_154 : i1 to i32
      %sign3A_156 = arith.constant 0 : i32
      %sign3A_157 = arith.cmpi slt, %add3A_96, %sign3A_156 : i32
      %sign3A_158 = arith.extui %sign3A_157 : i1 to i32
      %sign3A_159 = arith.subi %sign3A_155, %sign3A_158 : i32
      %sign3A_160 = arith.constant 0 : i32
      %sign3A_161 = arith.cmpi sgt, %jit3A, %sign3A_160 : i32
      %sign3A_162 = arith.extui %sign3A_161 : i1 to i32
      %sign3A_163 = arith.constant 0 : i32
      %sign3A_164 = arith.cmpi slt, %jit3A, %sign3A_163 : i32
      %sign3A_165 = arith.extui %sign3A_164 : i1 to i32
      %sign3A_166 = arith.subi %sign3A_162, %sign3A_165 : i32
      %ne3A = arith.cmpi ne, %sign3A_159, %sign3A_166 : i32
      %rem3A = arith.remsi %add3A_96, %jit3A : i32
      %ne3A_167 = arith.constant 0 : i32
      %ne3A_168 = arith.cmpi ne, %rem3A, %ne3A_167 : i32
      %and3A_169 = arith.andi %ne3A, %ne3A_168 : i1
      %sub3A_170 = arith.constant 1 : i32
      %sub3A_171 = arith.subi %div3A, %sub3A_170 : i32
      %select_n3A = arith.select %and3A_169, %sub3A_171, %div3A : i32
      %mul3A_172 = arith.constant 256 : i32
      %mul3A_173 = arith.muli %select_n3A, %mul3A_172 : i32
      %jit3A_174 = arith.constant 8 : i32
      %eq3A = arith.constant 0 : i32
      %eq3A_175 = arith.cmpi eq, %jit3A_174, %eq3A : i32
      %jit3A_176 = arith.constant 1 : i32
      %select_n3A_177 = arith.select %eq3A_175, %jit3A_176, %jit3A_174 : i32
      %rem3A_178 = arith.remsi %add3A_96, %select_n3A_177 : i32
      %ne3A_179 = arith.constant 0 : i32
      %ne3A_180 = arith.cmpi ne, %rem3A_178, %ne3A_179 : i32
      %lt3A = arith.constant 0 : i32
      %lt3A_181 = arith.cmpi slt, %rem3A_178, %lt3A : i32
      %lt3A_182 = arith.constant 0 : i32
      %lt3A_183 = arith.cmpi slt, %select_n3A_177, %lt3A_182 : i32
      %ne3A_184 = arith.xori %lt3A_181, %lt3A_183 : i1
      %and3A_185 = arith.andi %ne3A_184, %ne3A_180 : i1
      %add3A_186 = arith.addi %rem3A_178, %select_n3A_177 : i32
      %select_n3A_187 = arith.select %and3A_185, %add3A_186, %rem3A_178 : i32
      %mul3A_188 = arith.constant 16 : i32
      %mul3A_189 = arith.muli %select_n3A_187, %mul3A_188 : i32
      %add3A_190 = arith.addi %mul3A_173, %mul3A_189 : i32
      %sub3A_191 = arith.subf %add3A_147, %add3A_144 : vector<16xf32>
      %mul3A_192 = arith.mulf %get3A_101, %sub3A_191 : vector<16xf32>
      %add3A_193 = arith.addf %add3A_144, %mul3A_192 : vector<16xf32>
      %swap3A = arith.index_cast %add3A_190 : i32 to index
      %swap3A_194 = tpu.vector_load %arg25[%swap3A] {strides = array<i32>} : memref<1024xf32, #tpu.memory_space<vmem>>, vector<16xf32>,
      tpu.vector_store %arg25[%swap3A], %add3A_193 {strides = array<i32>} : memref<1024xf32, #tpu.memory_space<vmem>>, vector<16xf32>,
      %sub3A_195 = arith.subf %add3A_153, %add3A_150 : vector<16xf32>
      %mul3A_196 = arith.mulf %get3A_101, %sub3A_195 : vector<16xf32>
      %add3A_197 = arith.addf %add3A_150, %mul3A_196 : vector<16xf32>
      %add3A_198 = arith.constant 128 : i32
      %add3A_199 = arith.addi %add3A_190, %add3A_198 : i32
      %swap3A_200 = arith.index_cast %add3A_199 : i32 to index
      %swap3A_201 = tpu.vector_load %arg25[%swap3A_200] {strides = array<i32>} : memref<1024xf32, #tpu.memory_space<vmem>>, vector<16xf32>,
      tpu.vector_store %arg25[%swap3A_200], %add3A_197 {strides = array<i32>} : memref<1024xf32, #tpu.memory_space<vmem>>, vector<16xf32>,
      %mul3A_202 = arith.constant 2 : i32
      %mul3A_203 = arith.muli %scan3A_92, %mul3A_202 : i32
      %add3A_204 = arith.constant 1 : i32
      %add3A_205 = arith.addi %mul3A_203, %add3A_204 : i32
      %mul3A_206 = arith.constant 16 : i32
      %mul3A_207 = arith.muli %add3A_205, %mul3A_206 : i32
      %get3A_208 = arith.index_cast %mul3A_207 : i32 to index
      %get3A_209 = tpu.vector_load %arg14[%get3A_208] {strides = array<i32>} : memref<512xf32, #tpu.memory_space<vmem>>, vector<16xf32>,
      %get3A_210 = arith.index_cast %mul3A_207 : i32 to index
      %get3A_211 = tpu.vector_load %arg15[%get3A_210] {strides = array<i32>} : memref<512xf32, #tpu.memory_space<vmem>>, vector<16xf32>,
      %get3A_212 = arith.index_cast %mul3A_207 : i32 to index
      %get3A_213 = tpu.vector_load %arg20[%get3A_212] {strides = array<i32>} : memref<512xf32, #tpu.memory_space<vmem>>, vector<16xf32>,
      %bitcast3A_214 = vector.bitcast %get3A_213 : vector<16xf32> to vector<16xi32>
      %get3A_215 = arith.index_cast %mul3A_207 : i32 to index
      %get3A_216 = tpu.vector_load %arg21[%get3A_215] {strides = array<i32>} : memref<512xf32, #tpu.memory_space<vmem>>, vector<16xf32>,
      %bitcast3A_217 = vector.bitcast %get3A_216 : vector<16xf32> to vector<16xi32>
      %get3A_218 = arith.index_cast %mul3A_207 : i32 to index
      %get3A_219 = tpu.vector_load %arg22[%get3A_218] {strides = array<i32>} : memref<512xf32, #tpu.memory_space<vmem>>, vector<16xf32>,
      %bitcast3A_220 = vector.bitcast %get3A_219 : vector<16xf32> to vector<16xi32>
      %get3A_221 = arith.index_cast %mul3A_207 : i32 to index
      %get3A_222 = tpu.vector_load %arg23[%get3A_221] {strides = array<i32>} : memref<512xf32, #tpu.memory_space<vmem>>, vector<16xf32>,
      %bitcast3A_223 = vector.bitcast %get3A_222 : vector<16xf32> to vector<16xi32>
      %shift_left3A_224 = arith.constant 16 : i32
      %shift_left3A_225 = vector.broadcast %shift_left3A_224 : i32 to vector<16xi32>
      %shift_left3A_226 = arith.shli %bitcast3A_214, %shift_left3A_225 : vector<16xi32>
      %bitcast3A_227 = vector.bitcast %shift_left3A_226 : vector<16xi32> to vector<16xf32>
      %shift_left3A_228 = arith.constant 16 : i32
      %shift_left3A_229 = vector.broadcast %shift_left3A_228 : i32 to vector<16xi32>
      %shift_left3A_230 = arith.shli %bitcast3A_217, %shift_left3A_229 : vector<16xi32>
      %bitcast3A_231 = vector.bitcast %shift_left3A_230 : vector<16xi32> to vector<16xf32>
      %shift_left3A_232 = arith.constant 16 : i32
      %shift_left3A_233 = vector.broadcast %shift_left3A_232 : i32 to vector<16xi32>
      %shift_left3A_234 = arith.shli %bitcast3A_220, %shift_left3A_233 : vector<16xi32>
      %bitcast3A_235 = vector.bitcast %shift_left3A_234 : vector<16xi32> to vector<16xf32>
      %shift_left3A_236 = arith.constant 16 : i32
      %shift_left3A_237 = vector.broadcast %shift_left3A_236 : i32 to vector<16xi32>
      %shift_left3A_238 = arith.shli %bitcast3A_223, %shift_left3A_237 : vector<16xi32>
      %bitcast3A_239 = vector.bitcast %shift_left3A_238 : vector<16xi32> to vector<16xf32>
      %and3A_240 = arith.constant -65536 : i32
      %and3A_241 = vector.broadcast %and3A_240 : i32 to vector<16xi32>
      %and3A_242 = arith.andi %bitcast3A_214, %and3A_241 : vector<16xi32>
      %bitcast3A_243 = vector.bitcast %and3A_242 : vector<16xi32> to vector<16xf32>
      %and3A_244 = arith.constant -65536 : i32
      %and3A_245 = vector.broadcast %and3A_244 : i32 to vector<16xi32>
      %and3A_246 = arith.andi %bitcast3A_217, %and3A_245 : vector<16xi32>
      %bitcast3A_247 = vector.bitcast %and3A_246 : vector<16xi32> to vector<16xf32>
      %and3A_248 = arith.constant -65536 : i32
      %and3A_249 = vector.broadcast %and3A_248 : i32 to vector<16xi32>
      %and3A_250 = arith.andi %bitcast3A_220, %and3A_249 : vector<16xi32>
      %bitcast3A_251 = vector.bitcast %and3A_250 : vector<16xi32> to vector<16xf32>
      %and3A_252 = arith.constant -65536 : i32
      %and3A_253 = vector.broadcast %and3A_252 : i32 to vector<16xi32>
      %and3A_254 = arith.andi %bitcast3A_223, %and3A_253 : vector<16xi32>
      %bitcast3A_255 = vector.bitcast %and3A_254 : vector<16xi32> to vector<16xf32>
      %sub3A_256 = arith.subf %bitcast3A_231, %bitcast3A_227 : vector<16xf32>
      %mul3A_257 = arith.mulf %get3A_209, %sub3A_256 : vector<16xf32>
      %add3A_258 = arith.addf %bitcast3A_227, %mul3A_257 : vector<16xf32>
      %sub3A_259 = arith.subf %bitcast3A_239, %bitcast3A_235 : vector<16xf32>
      %mul3A_260 = arith.mulf %get3A_209, %sub3A_259 : vector<16xf32>
      %add3A_261 = arith.addf %bitcast3A_235, %mul3A_260 : vector<16xf32>
      %sub3A_262 = arith.subf %bitcast3A_247, %bitcast3A_243 : vector<16xf32>
      %mul3A_263 = arith.mulf %get3A_209, %sub3A_262 : vector<16xf32>
      %add3A_264 = arith.addf %bitcast3A_243, %mul3A_263 : vector<16xf32>
      %sub3A_265 = arith.subf %bitcast3A_255, %bitcast3A_251 : vector<16xf32>
      %mul3A_266 = arith.mulf %get3A_209, %sub3A_265 : vector<16xf32>
      %add3A_267 = arith.addf %bitcast3A_251, %mul3A_266 : vector<16xf32>
      %jit3A_268 = arith.constant 8 : i32
      %div3A_269 = arith.divsi %add3A_205, %jit3A_268 : i32
      %sign3A_270 = arith.constant 0 : i32
      %sign3A_271 = arith.cmpi sgt, %add3A_205, %sign3A_270 : i32
      %sign3A_272 = arith.extui %sign3A_271 : i1 to i32
      %sign3A_273 = arith.constant 0 : i32
      %sign3A_274 = arith.cmpi slt, %add3A_205, %sign3A_273 : i32
      %sign3A_275 = arith.extui %sign3A_274 : i1 to i32
      %sign3A_276 = arith.subi %sign3A_272, %sign3A_275 : i32
      %sign3A_277 = arith.constant 0 : i32
      %sign3A_278 = arith.cmpi sgt, %jit3A_268, %sign3A_277 : i32
      %sign3A_279 = arith.extui %sign3A_278 : i1 to i32
      %sign3A_280 = arith.constant 0 : i32
      %sign3A_281 = arith.cmpi slt, %jit3A_268, %sign3A_280 : i32
      %sign3A_282 = arith.extui %sign3A_281 : i1 to i32
      %sign3A_283 = arith.subi %sign3A_279, %sign3A_282 : i32
      %ne3A_284 = arith.cmpi ne, %sign3A_276, %sign3A_283 : i32
      %rem3A_285 = arith.remsi %add3A_205, %jit3A_268 : i32
      %ne3A_286 = arith.constant 0 : i32
      %ne3A_287 = arith.cmpi ne, %rem3A_285, %ne3A_286 : i32
      %and3A_288 = arith.andi %ne3A_284, %ne3A_287 : i1
      %sub3A_289 = arith.constant 1 : i32
      %sub3A_290 = arith.subi %div3A_269, %sub3A_289 : i32
      %select_n3A_291 = arith.select %and3A_288, %sub3A_290, %div3A_269 : i32
      %mul3A_292 = arith.constant 256 : i32
      %mul3A_293 = arith.muli %select_n3A_291, %mul3A_292 : i32
      %jit3A_294 = arith.constant 8 : i32
      %eq3A_295 = arith.constant 0 : i32
      %eq3A_296 = arith.cmpi eq, %jit3A_294, %eq3A_295 : i32
      %jit3A_297 = arith.constant 1 : i32
      %select_n3A_298 = arith.select %eq3A_296, %jit3A_297, %jit3A_294 : i32
      %rem3A_299 = arith.remsi %add3A_205, %select_n3A_298 : i32
      %ne3A_300 = arith.constant 0 : i32
      %ne3A_301 = arith.cmpi ne, %rem3A_299, %ne3A_300 : i32
      %lt3A_302 = arith.constant 0 : i32
      %lt3A_303 = arith.cmpi slt, %rem3A_299, %lt3A_302 : i32
      %lt3A_304 = arith.constant 0 : i32
      %lt3A_305 = arith.cmpi slt, %select_n3A_298, %lt3A_304 : i32
      %ne3A_306 = arith.xori %lt3A_303, %lt3A_305 : i1
      %and3A_307 = arith.andi %ne3A_306, %ne3A_301 : i1
      %add3A_308 = arith.addi %rem3A_299, %select_n3A_298 : i32
      %select_n3A_309 = arith.select %and3A_307, %add3A_308, %rem3A_299 : i32
      %mul3A_310 = arith.constant 16 : i32
      %mul3A_311 = arith.muli %select_n3A_309, %mul3A_310 : i32
      %add3A_312 = arith.addi %mul3A_293, %mul3A_311 : i32
      %sub3A_313 = arith.subf %add3A_261, %add3A_258 : vector<16xf32>
      %mul3A_314 = arith.mulf %get3A_211, %sub3A_313 : vector<16xf32>
      %add3A_315 = arith.addf %add3A_258, %mul3A_314 : vector<16xf32>
      %swap3A_316 = arith.index_cast %add3A_312 : i32 to index
      %swap3A_317 = tpu.vector_load %arg25[%swap3A_316] {strides = array<i32>} : memref<1024xf32, #tpu.memory_space<vmem>>, vector<16xf32>,
      tpu.vector_store %arg25[%swap3A_316], %add3A_315 {strides = array<i32>} : memref<1024xf32, #tpu.memory_space<vmem>>, vector<16xf32>,
      %sub3A_318 = arith.subf %add3A_267, %add3A_264 : vector<16xf32>
      %mul3A_319 = arith.mulf %get3A_211, %sub3A_318 : vector<16xf32>
      %add3A_320 = arith.addf %add3A_264, %mul3A_319 : vector<16xf32>
      %add3A_321 = arith.constant 128 : i32
      %add3A_322 = arith.addi %add3A_312, %add3A_321 : i32
      %swap3A_323 = arith.index_cast %add3A_322 : i32 to index
      %swap3A_324 = tpu.vector_load %arg25[%swap3A_323] {strides = array<i32>} : memref<1024xf32, #tpu.memory_space<vmem>>, vector<16xf32>,
      tpu.vector_store %arg25[%swap3A_323], %add3A_320 {strides = array<i32>} : memref<1024xf32, #tpu.memory_space<vmem>>, vector<16xf32>,
    }
    %scan3A_79 = arith.constant 16 : i32
    %add3A_80 = arith.constant 6520832 : i32
    %add3A_81 = arith.addi %add3A_80, %mul3A_2 : i32
    %dma_start3A_82 = tpu.memref_slice %arg4[%add3A_81] : memref<6553600xf32, #tpu.memory_space<hbm>> -> memref<1024xf32, #tpu.memory_space<hbm>>
    %dma_start3A_83 = tpu.memref_slice %arg4[%add3A_81] : memref<6553600xf32, #tpu.memory_space<hbm>> -> memref<1024xf32, #tpu.memory_space<hbm>>
    tpu.enqueue_dma source(%arg25 : memref<1024xf32, #tpu.memory_space<vmem>>) target(%dma_start3A_83 : memref<1024xf32, #tpu.memory_space<hbm>>) target_semaphore(%arg31 : memref<!tpu.dma_semaphore, #tpu.memory_space<semaphore_mem>>)
    %add3A_84 = arith.constant 6488064 : i32
    %add3A_85 = arith.addi %add3A_84, %mul3A_2 : i32
    %dma_wait3A_86 = tpu.memref_slice %arg4[%add3A_85] : memref<6553600xf32, #tpu.memory_space<hbm>> -> memref<1024xf32, #tpu.memory_space<hbm>>
    %dma_wait3A_87 = tpu.memref_slice %arg4[%add3A_85] : memref<6553600xf32, #tpu.memory_space<hbm>> -> memref<1024xf32, #tpu.memory_space<hbm>>
    tpu.wait_dma2 semaphore(%arg30 : memref<!tpu.dma_semaphore, #tpu.memory_space<semaphore_mem>>) src(%arg24 : memref<1024xf32, #tpu.memory_space<vmem>>) dst(%dma_wait3A_87 : memref<1024xf32, #tpu.memory_space<hbm>>)
    %add3A_88 = arith.constant 6520832 : i32
    %add3A_89 = arith.addi %add3A_88, %mul3A_2 : i32
    %dma_wait3A_90 = tpu.memref_slice %arg4[%add3A_89] : memref<6553600xf32, #tpu.memory_space<hbm>> -> memref<1024xf32, #tpu.memory_space<hbm>>
    %dma_wait3A_91 = tpu.memref_slice %arg4[%add3A_89] : memref<6553600xf32, #tpu.memory_space<hbm>> -> memref<1024xf32, #tpu.memory_space<hbm>>
    tpu.wait_dma2 semaphore(%arg31 : memref<!tpu.dma_semaphore, #tpu.memory_space<semaphore_mem>>) src(%arg25 : memref<1024xf32, #tpu.memory_space<vmem>>) dst(%dma_wait3A_91 : memref<1024xf32, #tpu.memory_space<hbm>>)
    return
  }
}

</mosaic_0001>

<sc_bundles>
// kernel: kernel.3.cloned.1.call-start
scs
__scs_entry_jumppad:
0x0: {  	(pc) =	sbr.rel $0x88, $3  }
0x1: {  	(tag) =	ssettag $0x0;
	lr =	simm.s32 $0x1  }
0x2: {  	[smem:$0x3F9F] =	sst lr;
	_ =	strace $0xD0000000  }
0x3: {  	_ = 	snop  }
0x4: {  	_ = 	snop  }
0x5: {  	_ = 	snop  }
0x6: {  	_ = 	snop  }
0x7: {  	_ = 	snop  }
__scs_overlays_trampoline_lowered:
0x8: {  	[smem:$0x3FAE] =	sst s0  }
0x9: {  	[smem:$0x3FAF] =	sst s1  }
0xa: {  	[smem:$0x3FB0] =	sst s2  }
0xb: {  	[smem:$0x3FB1] =	sst s3  }
0xc: {  	[smem:$0x3FB2] =	sst s4  }
0xd: {  	[smem:$0x3FB3] =	sst s5  }
0xe: {  	[smem:$0x3FB4] =	sst s6  }
0xf: {  	[smem:$0x3FB5] =	sst s7  }
0x10: {  	[smem:$0x3FB6] =	sst s8  }
0x11: {  	[smem:$0x3FB7] =	sst s9;
	s0 =	simm.s32 @!p0 $0x0  }
0x12: {  	s1 =	sld [smem:$0x3F9D];
	s0 =	simm.s32 @p0 $0x1  }
0x13: {  	[smem:$0x3FB8] =	sst s0;
	s0 =	simm.s32 @!p1 $0x0  }
0x14: {  	s2 =	sld [smem:$0x3F9C];
	s0 =	simm.s32 @p1 $0x1  }
0x15: {  	[smem:$0x3FB9] =	sst s0;
	s0 =	simm.s32 @!p2 $0x0  }
0x16: {  	s3 =	sld [smem:$0x3FDB];
	s0 =	simm.s32 @p2 $0x1  }
0x17: {  	s4 =	simm.s32 $0x1BF5;
	[smem:$0x3FBB] =	sst s0  }
0x18: {  	s0 =	sld [smem:$0x3F9E];
	_ =	swait.ge [sflag:s4], $0x0  }
0x19: {  	s7 =	sld [smem:$0x3F9F]  }
0x1a: {  	s8 =	sadd.s32 $0xFFFFE003, lr  }
0x1b: {  	s9 =	sadd.s32 $0xFFFFFEF7, lr;
	s5 =	simm.s32 $0xFFFFFFFF;
	p2 =	slt.u32 s8, $0xFFFFF086  }
0x1c: {  	p1 =	slt.u32 s9, $0xF7A;
	s5 =	simm.s32 @!p2 $0x0  }
0x1d: {  	s5 =	simm.s32 @p1 $0x1;
	p0 =	seq.s32 s7, s2  }
0x1e: {  	s7 =	smul.u32 @!p0 $0xF7A, s2;
	p2 =	seq.s32 @!p0 s5, $0x0  }
0x1f: {  	s9 =	smul.u32 $0xF7A, s1;
	s8 =	simm.s32 @!p0 $0x1BF5;
	p2 =	por !p2, p0  }
0x20: {  	[sflag:s8] =	ssyncset.s32 @!p0 $0xFFFFF086;
	s6 =	sadd.s32 @!p0 s3, s7;
	s7 =	simm.s32 @!p0 $0x108  }
0x21: {  	s3 =	sadd.s32 s3, s9;
	s6 =	sadd.s32 @!p0 $0x88, s6;
	s7 =	simm.s32 @p2 $0x1082  }
0x22: {  	[simem:s7], [sflag:s8] =	dma.local @!p0 [hbm:s6], $0xF7A  }
0x23: {  	s9 =	sor.u32 $0xD0000000, s2;
	s6 =	simm.s32 $0x108;
	_ =	swait.ge @!p0 [sflag:s8], $0x0  }
0x24: {  	s3 =	sadd.s32 $0x88, s3;
	s6 =	simm.s32 @!p1 $0x1082;
	[sflag:s4] =	ssyncset.s32 $0xFFFFF086  }
0x25: {  	[simem:s6], [sflag:s4] =	dma.local [hbm:s3], $0xF7A  }
0x26: {  	[smem:$0x3F9F] =	sst s1;
	(tag) =	ssettag s2;
	_ =	strace s9  }
0x27: {  	s1 =	sld [smem:$0x3FAF]  }
0x28: {  	s2 =	sld [smem:$0x3FB0]  }
0x29: {  	s4 =	sld [smem:$0x3FB2]  }
0x2a: {  	p0 =	seq.s32 s5, $0x0;
	s5 =	sld [smem:$0x3FB3]  }
0x2b: {  	s6 =	sld [smem:$0x3FB4]  }
0x2c: {  	s7 =	sld [smem:$0x3FB5]  }
0x2d: {  	s3 =	simm.s32 $0x108;
	s8 =	sld [smem:$0x3FB6]  }
0x2e: {  	s3 =	simm.s32 @!p0 $0x1082;
	s9 =	sld [smem:$0x3FB7]  }
0x2f: {  	lr =	sadd.s32 s0, s3;
	s0 =	sld [smem:$0x3FAE]  }
0x30: {  	s3 =	sld [smem:$0x3FB1]  }
0x31: {  	[smem:$0x3FBA] =	sst s10  }
0x32: {  	s10 =	sld [smem:$0x3FB8];
	_ =	sdelay $0x3  }
0x33: {  	p0 =	seq.s32 s10, $0x1;
	s10 =	sld [smem:$0x3FBA];
	_ =	sdelay $0x3  }
0x34: {  	[smem:$0x3FBA] =	sst s10  }
0x35: {  	s10 =	sld [smem:$0x3FB9];
	_ =	sdelay $0x3  }
0x36: {  	p1 =	seq.s32 s10, $0x1;
	s10 =	sld [smem:$0x3FBA];
	_ =	sdelay $0x3  }
0x37: {  	[smem:$0x3FBA] =	sst s10  }
0x38: {  	s10 =	sld [smem:$0x3FBB]  }
0x39: {  	_ = 	snop;
	(pc) =	sbr.ind lr, $3  }
0x3a: {  	_ = 	snop  }
0x3b: {  	_ = 	snop  }
0x3c: {  	p2 =	seq.s32 s10, $0x1;
	s10 =	sld [smem:$0x3FBA]  }
0x3d: {  	_ =	shalt  }
0x3e: {  	_ =	shalt  }
0x3f: {  	_ =	shalt  }
0x40: {  	_ =	shalt  }
0x41: {  	_ =	shalt  }
0x42: {  	_ =	shalt  }
0x43: {  	_ =	shalt  }
0x44: {  	_ =	shalt  }
0x45: {  	_ =	shalt  }
0x46: {  	_ =	shalt  }
0x47: {  	_ =	shalt  }
0x48: {  	_ =	shalt  }
0x49: {  	_ =	shalt  }
0x4a: {  	_ =	shalt  }
0x4b: {  	_ =	shalt  }
0x4c: {  	_ =	shalt  }
0x4d: {  	_ =	shalt  }
0x4e: {  	_ =	shalt  }
0x4f: {  	_ =	shalt  }
0x50: {  	_ =	shalt  }
0x51: {  	_ =	shalt  }
0x52: {  	_ =	shalt  }
0x53: {  	_ =	shalt  }
0x54: {  	_ =	shalt  }
0x55: {  	_ =	shalt  }
0x56: {  	_ =	shalt  }
0x57: {  	_ =	shalt  }
0x58: {  	_ =	shalt  }
0x59: {  	_ =	shalt  }
0x5a: {  	_ =	shalt  }
0x5b: {  	_ =	shalt  }
0x5c: {  	_ =	shalt  }
0x5d: {  	_ =	shalt  }
0x5e: {  	_ =	shalt  }
0x5f: {  	_ =	shalt  }
0x60: {  	_ =	shalt  }
0x61: {  	_ =	shalt  }
0x62: {  	_ =	shalt  }
0x63: {  	_ =	shalt  }
0x64: {  	_ =	shalt  }
0x65: {  	_ =	shalt  }
0x66: {  	_ =	shalt  }
0x67: {  	_ =	shalt  }
0x68: {  	_ =	shalt  }
0x69: {  	_ =	shalt  }
0x6a: {  	_ =	shalt  }
0x6b: {  	_ =	shalt  }
0x6c: {  	_ =	shalt  }
0x6d: {  	_ =	shalt  }
0x6e: {  	_ =	shalt  }
0x6f: {  	_ =	shalt  }
0x70: {  	_ =	shalt  }
0x71: {  	_ =	shalt  }
0x72: {  	_ =	shalt  }
0x73: {  	_ =	shalt  }
0x74: {  	_ =	shalt  }
0x75: {  	_ =	shalt  }
0x76: {  	_ =	shalt  }
0x77: {  	_ =	shalt  }
0x78: {  	_ =	shalt  }
0x79: {  	_ =	shalt  }
0x7a: {  	_ =	shalt  }
0x7b: {  	_ =	shalt  }
0x7c: {  	_ =	shalt  }
0x7d: {  	_ =	shalt  }
0x7e: {  	_ =	shalt  }
0x7f: {  	_ =	shalt  }
0x80: {  	_ =	shalt  }
0x81: {  	_ =	shalt  }
0x82: {  	_ =	shalt  }
0x83: {  	_ =	shalt  }
0x84: {  	_ =	shalt  }
0x85: {  	_ =	shalt  }
0x86: {  	_ =	shalt  }
0x87: {  	_ =	shalt  }
.Lfunc_end0:
.L_simem_size_0:
called_computation_lowered:
.L_overlay_start_0:
0x88: {  	s2 =	sld [smem:$0x3FD9]  }
0x89: {  	s3 =	sld [smem:$0x3FFE];
	_ =	sdelay $0x1  }
0x8a: {  	s1 =	srdreg.scid  }
0x8b: {  	s0 =	sand.u32 $0x1, s1  }
0x8c: {  	s17 =	sshll.u32 s0, $0xA;
	s2 =	sadd.s32 s3, s2  }
0x8d: {  	s2 =	sadd.s32 s2, s17  }
0x8e: {  	[smem:$0x3FC6] =	sst s2  }
0x8f: {  	_ = 	snop  }
0x90: {  	s2 =	sld [smem:$0x3FC9]  }
0x91: {  	s18 =	sld [smem:$0x3FD0];
	(tm) =	ssettm $0x1  }
0x92: {  	s4 =	sld [smem:$0x3FFB];
	_ =	sdelay $0x3  }
0x93: {  	_ =	strace s4  }
0x94: {  	s4 =	sld [smem:$0x3FFC];
	_ =	sdelay $0x3  }
0x95: {  	_ =	strace s4  }
0x96: {  	s4 =	sld [smem:$0x3FFD];
	_ =	sdelay $0x3  }
0x97: {  	_ =	strace s4  }
0x98: {  	_ =	strace $0x8FFFFFFF  }
0x99: {  	s19 =	sld [smem:$0x3FDB];
	_ =	sdelay $0x1  }
0x9a: {  	s5 =	simm.s32 $_scs_section_size  }
0x9b: {  	s6 =	simm.s32 $_size__tile_overlayer_lowered;
	s7 =	simm.s32 $_tile_overlayer_lowered  }
0x9c: {  	s22 =	simm.s32 $0x1BFF;
	s21 =	sshll.u32 s7, $0x1;
	s4 =	sadd.s32 s5, s19  }
0x9d: {  	s8 =	simm.s32 $0x0;
	s20 =	sshll.u32 s6, $0x1;
	s6 =	sadd.s32 s21, s4  }
0x9e: {  	[timem:s8], [sflag:s22] =	dma.local [hbm:s6], s20  }
0x9f: {  	_ =	swait.ge [sflag:s22], s20  }
0xa0: {  	s5 =	ssub.s32 $0x0, s20;
	[sflag:s22] =	ssyncset.done $0x0  }
0xa1: {  	[sflag:s22] =	ssyncadd.s32 s5;
	_ =	sdelay $0x1  }
0xa2: {  	s23 =	simm.s32 $0x1B8B  }
0xa3: {  	_ =	swait.ge [sflag:s23], $0x1  }
0xa4: {  	[sflag:s23] =	ssyncset.done $0x0  }
0xa5: {  	s25 =	simm.s32 $0x1B8E;
	s24 =	sld [smem:$0x3FFE];
	[sflag:s23] =	ssyncadd.s32 $0xFFFFFFFF  }
0xa6: {  	s26 =	simm.s32 $execute0_lowered;
	[smem:$0x3FD2] =	sst s25  }
0xa7: {  	s6 =	sshll.u32 s26, $0x1;
	_ =	strace $0x80000046;
	[dreg:$0x1] =	wrdreg $0xFFFFFFFF  }
0xa8: {  	s28 =	simm.s32 $_size_execute0_lowered;
	s4 =	sadd.s32 s4, s6;
	[dreg:$0x0] =	wrdreg $0x0  }
0xa9: {  	s6 =	sshll.u32 s28, $0x1;
	[dreg:$0x2] =	wrdreg s4  }
0xaa: {  	[dreg:$0x3] =	wrdreg s6  }
0xab: {  	[dreg:$0x4] =	wrdreg $0xC0  }
0xac: {  	_ =	task [dreg:s8], $0x5FFFF  }
0xad: {  	[dreg:$0x1] =	wrdreg $0xFFFFFFFF  }
0xae: {  	[dreg:$0x0] =	wrdreg $0x60  }
0xaf: {  	[dreg:$0x2] =	wrdreg s2  }
0xb0: {  	[dreg:$0x3] =	wrdreg s24  }
0xb1: {  	[dreg:$0x4] =	wrdreg s18  }
0xb2: {  	[dreg:$0x5] =	wrdreg $0x0  }
0xb3: {  	[dreg:$0x6] =	wrdreg $0x9  }
0xb4: {  	_ =	task.clear_ibuf [dreg:s8], $0x7FFFF;
	_ =	strace $0x90000046  }
0xb5: {  	s29 =	simm.s32 $0x9;
	_ =	strace $0x80000048  }
0xb6: {  	_ =	swait.ge [sflag:s29], $0x1  }
0xb7: {  	[sflag:s29] =	ssyncadd.s32 $0xFFFFFFFF  }
0xb8: {  	_ =	strace $0x90000048  }
0xb9: {  	_ =	sfence  }
0xba: {  	s30 =	sld [smem:$0x0];
	_ =	sdelay $0x2  }
0xbb: {  	s31 =	sshll.u32 s1, $0xD;
	s1 =	sshrl.u32 s1, $0x2  }
0xbc: {  	s3 =	sand.u32 $0x4000, s31;
	s1 =	sadd.s32 s1, s30  }
0xbd: {  	s0 =	sor.u32 s3, s0;
	s1 =	sshll.u32 s1, $0x11  }
0xbe: {  	s0 =	sor.u32 s1, s0  }
0xbf: {  	s0 =	sadd.s32 $0x8F2B, s0  }
0xc0: {  	[sflag:s0] =	ssyncadd.remote.s32 $0x1  }
0xc1: {  	_ =	sfence.sel $0xFFFF  }
0xc2: {  	[dreg:$0x0] =	wrdreg $0xFFFFFFFF;
	(pc) =	sbr.abs _section_cstart, $3  }
0xc3: {  	[dreg:$0x1] =	wrdreg $0xFFFFFFFF  }
0xc4: {  	_ =	task.clear_ibuf [dreg:s8], $0x2FFFF;
	_ =	strace $0x9FFFFFFF  }
0xc5: {  	(tm) =	ssettm $0x7FFFFFFF  }
tec
execute0_lowered:
.L_overlay_start_1:
0x0: {  	(tag) =	ssettag $0x1  }
0x1: {  	s7 =	rddreg [dreg:$0x0]  }
0x2: {  	s0 =	rddreg [dreg:$0x1]  }
0x3: {  	s9 =	rddreg [dreg:$0x2]  }
0x4: {  	s4 =	rddreg [dreg:$0x3]  }
0x5: {  	s5 =	simm.s32 $0x0;
	s8 =	stileid.u32;
	s1 =	srdreg.scid  }
0x6: {  	s29 =	simm.s32 $0x10B00;
	s15 =	simm.s32 $0x10D00;
	s17 =	simm.s32 $0x10E00  }
0x7: {  	s31 =	simm.s32 $0x3;
	[smem:$0x7FF] =	sst s5;
	s2 =	sshll.u32 s8, $0xD  }
0x8: {  	s1 =	sand.u32 $0x1, s1;
	s6 =	sshll.u32 s8, $0xB;
	s19 =	sshll.u32 s8, $0x10  }
0x9: {  	s20 =	sshll.u32 s8, $0x6;
	s23 =	sadd.s32 $0x1000, s7;
	s13 =	sadd.s32 $0x400, s4  }
0xa: {  	s8 =	simm.s32 $0x2;
	_ =	strace $0x80000047;
	s0 =	sadd.s32 s2, s0  }
0xb: {  	s18 =	ssub.s32 $0x2, s1;
	s1 =	sshll.u32 s1, $0xA;
	s21 =	sor.u32 $0x1C07, s20  }
0xc: {  	[dreg:$0x9] =	wrdreg s23;
	s20 =	simm.s32 $0x1;
	s3 =	sshrl.u32 s18, $0x1  }
0xd: {  	s10 =	sor.u32 s1, s6;
	s0 =	sadd.s32 $0x400, s0;
	[dreg:$0x7] =	wrdreg s21  }
0xe: {  	s1 =	sadd.s32 s19, s4;
	s21 =	simm.s32 $0x100;
	[dreg:$0x6] =	wrdreg s0  }
0xf: {  	s2 =	ssub.s32 s18, s3;
	s24 =	sor.u32 $0xFFFF8000, s10;
	[dreg:$0x5] =	wrdreg s10  }
0x10: {  	s6 =	sshrl.u32 s10, $0x3;
	s26 =	sor.u32 $0x10000, s10;
	[dreg:$0xa] =	wrdreg s24  }
0x11: {  	s30 =	sshrl.u32 s1, $0x3;
	s18 =	simm.s32 $0x10F00;
	[dreg:$0xb] =	wrdreg s26  }
0x12: {  	s1 =	simm.s32 $0x0;
	s22 =	sadd.s32 s7, s6;
	[dreg:$0xe] =	wrdreg s30  }
0x13: {  	s25 =	sadd.s32 s6, s9;
	s28 =	smax.u32 s2, $0x1;
	[dreg:$0x8] =	wrdreg s22  }
0x14: {  	s26 =	simm.s32 $0x10A00;
	s0 =	sadd.s32 $0xC7000, s25;
	[dreg:$0xd] =	wrdreg s28  }
0x15: {  	s9 =	simm.s32 $0x10C00;
	s2 =	simm.s32 $0x4;
	[dreg:$0xc] =	wrdreg s0  }
.LBB2_1:
0x16: {  	[dreg:$0xf] =	wrdreg s1  }
0x17: {  	s0 =	rddreg [dreg:$0x6]  }
0x18: {  	s24 =	rddreg [dreg:$0x7]  }
0x19: {  	s3 =	rddreg [dreg:$0xe];
	s25 =	simm.s32 $0x7  }
0x1a: {  	[spmem:s3], [sflag:s24] =	dma.local [hbm:s0], $0x2000  }
0x1b: {  	_ =	swait.ge [sflag:s25], $0x2000  }
0x1c: {  	[sflag:s25] =	ssyncset.done $0x0  }
0x1d: {  	[sflag:s25] =	ssyncadd.s32 $0xFFFFE000  }
0x1e: {  	[bflag:$0x0] =	sbarrier.arrive $0xFFFF  }
0x1f: {  	s30 =	simm.s32 $0x10000;
	s7 =	simm.s32 $0x0;
	s28 =	rddreg [dreg:$0x8]  }
0x20: {  	[tilespmem:s30], [sflag:$0x1] =	stream.linear.gather [hbm4b:s28+s5], $0x400, $0x38;
	[tilespmem:$0x13000] =	vst v63  }
.LBB2_2:
0x21: {  	s16 =	sshll.u32 s7, $0x10;
	s0 =	rddreg [dreg:$0x5]  }
0x22: {  	s0 =	sor.u32 s0, s16  }
0x23: {  	s23 =	rddreg [dreg:$0x9];
	s14 =	sshrl.u32 s0, $0x3  }
0x24: {  	s1 =	simm.s32 $0x0;
	s3 =	simm.s32 $0x10400;
	s0 =	sadd.s32 s14, s23  }
0x25: {  	[tilespmem:s3], [sflag:$0x2] =	stream.linear.gather [hbm4b:s0+s1], $0x400, $0x38;
	[tilespmem:$0x13000] =	vst v63  }
0x26: {  	s24 =	simm.s32 $0x0;
	s1 =	sand.u32 $0x300, s1;
	_ =	swait.ge [sflag:s20], $0x400  }
0x27: {  	s0 =	sand.u32 $0x60, s24;
	s1 =	sor.u32 $0x10000, s1;
	[sflag:s20] =	ssyncset.done $0x0  }
0x28: {  	s0 =	sor.u32 s0, s1;
	[sflag:s20] =	ssyncadd.s32 $0xFFFFFC00  }
0x29: {  	v0 =	vld [tilespmem:s0+$0x0]  }
0x2a: {  	v1 =	vld [tilespmem:s0+$0x80];
	_ =	sdelay $0x4  }
0x2b: {  	v0 =	vmul.f32 $1.023000000e+03, v0;
	v1 =	vmul.f32 $1.023000000e+03, v1;
	_ =	sdelay $0x1  }
0x2c: {  	v2 =	vtrunc.f32 v0;
	v3 =	vtrunc.f32 v1  }
0x2d: {  	v2 =	vcvt.f32.s32 v2;
	v3 =	vcvt.f32.s32 v3;
	_ =	sdelay $0x1  }
0x2e: {  	v4 =	vcvt.s32.f32 v2;
	v5 =	vshll.u32 v3, $0xA  }
0x2f: {  	s6 =	simm.s32 $0x10810;
	v3 =	vcvt.s32.f32 v3;
	v2 =	vadd.s32 v2, v5  }
0x30: {  	s30 =	simm.s32 $0x10A10;
	v0 =	vsub.f32 v0, v4;
	[tilespmem:s6+$0xFFFFFFF0] =	vst v2;
	v2 =	vadd.s32 $0x1, v2  }
0x31: {  	s25 =	simm.s32 $0x10;
	s11 =	simm.s32 $0x11010;
	v1 =	vsub.f32 v1, v3;
	[tilespmem:s30+$0xFFFFFFF0] =	vst v2  }
0x32: {  	s3 =	sand.u32 $0x70, s25;
	s0 =	simm.s32 $0x11210;
	[tilespmem:s11+$0xFFFFFFF0] =	vst v0  }
0x33: {  	s1 =	sor.u32 s3, s1;
	[tilespmem:s0+$0xFFFFFFF0] =	vst v1  }
0x34: {  	v0 =	vld [tilespmem:s1+$0x0]  }
0x35: {  	v1 =	vld [tilespmem:s1+$0x80];
	_ =	sdelay $0x4  }
0x36: {  	v0 =	vmul.f32 $1.023000000e+03, v0;
	v1 =	vmul.f32 $1.023000000e+03, v1;
	_ =	sdelay $0x1  }
0x37: {  	v2 =	vtrunc.f32 v0;
	v3 =	vtrunc.f32 v1  }
0x38: {  	v2 =	vcvt.f32.s32 v2;
	v3 =	vcvt.f32.s32 v3;
	_ =	sdelay $0x1  }
0x39: {  	s28 =	simm.s32 $0x30;
	v62 =	vcvt.s32.f32 v2;
	v63 =	vcvt.s32.f32 v3;
	v3 =	vshll.u32 v3, $0xA  }
0x3a: {  	s19 =	simm.s32 $0x11030;
	s12 =	simm.s32 $0x40;
	s23 =	simm.s32 $0x10A30;
	v2 =	vadd.s32 v2, v3  }
0x3b: {  	s25 =	simm.s32 $0x10830;
	s3 =	simm.s32 $0x50;
	s1 =	simm.s32 $0x11230;
	v0 =	vsub.f32 v0, v62;
	v1 =	vsub.f32 v1, v63;
	[tilespmem:s6+$0x0] =	vst v2;
	v2 =	vadd.s32 $0x1, v2  }
.LBB2_3:
0x3c: {  	s10 =	sadd.s32 $0xFFFFFFF0, s28;
	s22 =	sand.u32 $0x300, s12  }
0x3d: {  	[tilespmem:s30+$0x0] =	vst v2;
	s24 =	smov.u32 s3;
	s6 =	sadd.s32 $0x20, s3;
	s30 =	smov.u32 s23  }
0x3e: {  	p0 =	sne.s32 s3, $0x1F0;
	s3 =	sand.u32 $0x60, s10;
	s10 =	sor.u32 $0x10000, s22;
	[tilespmem:s11+$0x0] =	vst v0  }
0x3f: {  	s11 =	smov.u32 s19;
	s3 =	sor.u32 s3, s10;
	[tilespmem:s0+$0x0] =	vst v1;
	s0 =	smov.u32 s1  }
0x40: {  	v0 =	vld [tilespmem:s3+$0x0]  }
0x41: {  	v1 =	vld [tilespmem:s3+$0x80];
	_ =	sdelay $0x3  }
0x42: {  	v0 =	vmul.f32 $1.023000000e+03, v0  }
0x43: {  	v1 =	vmul.f32 $1.023000000e+03, v1  }
0x44: {  	v2 =	vtrunc.f32 v0  }
0x45: {  	v2 =	vcvt.f32.s32 v2;
	v3 =	vtrunc.f32 v1  }
0x46: {  	v3 =	vcvt.f32.s32 v3  }
0x47: {  	v4 =	vcvt.s32.f32 v2  }
0x48: {  	v5 =	vcvt.s32.f32 v3;
	v3 =	vshll.u32 v3, $0xA  }
0x49: {  	v0 =	vsub.f32 v0, v4;
	v2 =	vadd.s32 v2, v3  }
0x4a: {  	v1 =	vsub.f32 v1, v5;
	[tilespmem:s25+$0xFFFFFFF0] =	vst v2;
	v2 =	vadd.s32 $0x1, v2  }
0x4b: {  	[tilespmem:s23+$0xFFFFFFF0] =	vst v2  }
0x4c: {  	s3 =	sand.u32 $0x70, s28;
	s28 =	smov.u32 s24;
	[tilespmem:s19+$0xFFFFFFF0] =	vst v0  }
0x4d: {  	s3 =	sor.u32 s3, s10;
	[tilespmem:s1+$0xFFFFFFF0] =	vst v1  }
0x4e: {  	v0 =	vld [tilespmem:s3+$0x0]  }
0x4f: {  	v1 =	vld [tilespmem:s3+$0x80];
	_ =	sdelay $0x3  }
0x50: {  	v0 =	vmul.f32 $1.023000000e+03, v0  }
0x51: {  	v1 =	vmul.f32 $1.023000000e+03, v1  }
0x52: {  	v2 =	vtrunc.f32 v0  }
0x53: {  	v2 =	vcvt.f32.s32 v2;
	v3 =	vtrunc.f32 v1  }
.Ltmp0:
0x54: {  	v3 =	vcvt.f32.s32 v3;
	(pc) =	sbr.rel @p0 .LBB2_3-.Ltmp0, $4  }
0x55: {  	v4 =	vcvt.s32.f32 v2  }
0x56: {  	v5 =	vcvt.s32.f32 v3;
	v3 =	vshll.u32 v3, $0xA  }
0x57: {  	s12 =	sadd.s32 $0x40, s12;
	s19 =	sadd.s32 $0x20, s19;
	s1 =	sadd.s32 $0x20, s1;
	v0 =	vsub.f32 v0, v4;
	v2 =	vadd.s32 v2, v3  }
0x58: {  	s23 =	sadd.s32 $0x20, s23;
	s3 =	smov.u32 s6;
	v1 =	vsub.f32 v1, v5;
	[tilespmem:s25+$0x0] =	vst v2;
	v2 =	vadd.s32 $0x1, v2;
	s25 =	sadd.s32 $0x20, s25  }
0x59: {  	s3 =	sadd.s32 $0xFFFFFFF0, s28;
	s6 =	sand.u32 $0x300, s12;
	[tilespmem:s30+$0x0] =	vst v2  }
0x5a: {  	s3 =	sand.u32 $0x60, s3;
	s6 =	sor.u32 $0x10000, s6;
	[tilespmem:s11+$0x0] =	vst v0  }
0x5b: {  	s3 =	sor.u32 s3, s6;
	[tilespmem:s0+$0x0] =	vst v1  }
0x5c: {  	v0 =	vld [tilespmem:s3+$0x0]  }
0x5d: {  	v1 =	vld [tilespmem:s3+$0x80];
	_ =	sdelay $0x4  }
0x5e: {  	v0 =	vmul.f32 $1.023000000e+03, v0;
	v1 =	vmul.f32 $1.023000000e+03, v1;
	_ =	sdelay $0x1  }
0x5f: {  	v59 =	vtrunc.f32 v0;
	v3 =	vtrunc.f32 v1  }
0x60: {  	v2 =	vcvt.f32.s32 v59;
	v3 =	vcvt.f32.s32 v3;
	_ =	sdelay $0x1  }
0x61: {  	v4 =	vcvt.s32.f32 v2;
	v5 =	vshll.u32 v3, $0xA  }
0x62: {  	v3 =	vcvt.s32.f32 v3;
	v2 =	vadd.s32 v2, v5  }
0x63: {  	v0 =	vsub.f32 v0, v4;
	[tilespmem:s25+$0xFFFFFFF0] =	vst v2;
	v2 =	vadd.s32 $0x1, v2  }
0x64: {  	v1 =	vsub.f32 v1, v3;
	[tilespmem:s23+$0xFFFFFFF0] =	vst v2  }
0x65: {  	s3 =	sand.u32 $0x70, s28;
	[tilespmem:s19+$0xFFFFFFF0] =	vst v0  }
0x66: {  	s0 =	sor.u32 s3, s6;
	[tilespmem:s1+$0xFFFFFFF0] =	vst v1  }
0x67: {  	v0 =	vld [tilespmem:s0+$0x0]  }
0x68: {  	v1 =	vld [tilespmem:s0+$0x80];
	_ =	sdelay $0x4  }
0x69: {  	v0 =	vmul.f32 $1.023000000e+03, v0;
	v1 =	vmul.f32 $1.023000000e+03, v1;
	_ =	sdelay $0x1  }
0x6a: {  	v60 =	vtrunc.f32 v0;
	v61 =	vtrunc.f32 v1  }
0x6b: {  	v2 =	vcvt.f32.s32 v60;
	v3 =	vcvt.f32.s32 v61;
	_ =	sdelay $0x1  }
0x6c: {  	v62 =	vcvt.s32.f32 v2;
	v63 =	vshll.u32 v3, $0xA  }
0x6d: {  	v3 =	vcvt.s32.f32 v3;
	v2 =	vadd.s32 v2, v63  }
0x6e: {  	v0 =	vsub.f32 v0, v62;
	[tilespmem:s25+$0x0] =	vst v2;
	v2 =	vadd.s32 $0x1, v2  }
0x6f: {  	v1 =	vsub.f32 v1, v3;
	[tilespmem:s23+$0x0] =	vst v2  }
0x70: {  	[tilespmem:s19+$0x0] =	vst v0  }
0x71: {  	s10 =	simm.s32 $0x10800;
	s11 =	simm.s32 $0x11800;
	[tilespmem:s1+$0x0] =	vst v1  }
0x72: {  	[tilespmem:s11], [sflag:$0x3] =	stream.indirect.gather [spmem:s4], $0x1, s10, s21, $0xb8;
	[tilespmem:$0x13000] =	vst v63  }
0x73: {  	s12 =	simm.s32 $0x10900;
	s19 =	simm.s32 $0x11900  }
0x74: {  	[tilespmem:s19], [sflag:$0x3] =	stream.indirect.gather [spmem:s4], $0x1, s12, s21, $0xb8;
	[tilespmem:$0x13000] =	vst v63  }
0x75: {  	s22 =	simm.s32 $0x11A00  }
0x76: {  	[tilespmem:s22], [sflag:$0x3] =	stream.indirect.gather [spmem:s4], $0x1, s26, s21, $0xb8;
	[tilespmem:$0x13000] =	vst v63  }
0x77: {  	s23 =	simm.s32 $0x11B00  }
0x78: {  	[tilespmem:s23], [sflag:$0x3] =	stream.indirect.gather [spmem:s4], $0x1, s29, s21, $0xb8;
	[tilespmem:$0x13000] =	vst v63  }
0x79: {  	s24 =	simm.s32 $0x11C00  }
0x7a: {  	[tilespmem:s24], [sflag:$0x3] =	stream.indirect.gather [spmem:s13], $0x1, s10, s21, $0xb8;
	[tilespmem:$0x13000] =	vst v63  }
0x7b: {  	p0 =	seq.s32 s7, $0x0;
	s25 =	simm.s32 $0x11D00  }
0x7c: {  	[tilespmem:s25], [sflag:$0x3] =	stream.indirect.gather [spmem:s13], $0x1, s12, s21, $0xb8;
	[tilespmem:$0x13000] =	vst v63  }
.Ltmp1:
0x7d: {  	_ = 	snop;
	(pc) =	sbr.rel @p0 .LBB2_8-.Ltmp1, $4  }
0x7e: {  	s28 =	simm.s32 $0x11E00  }
0x7f: {  	[tilespmem:s28], [sflag:$0x3] =	stream.indirect.gather [spmem:s13], $0x1, s26, s21, $0xb8;
	[tilespmem:$0x13000] =	vst v63  }
0x80: {  	s30 =	simm.s32 $0x11F00  }
0x81: {  	[tilespmem:s30], [sflag:$0x3] =	stream.indirect.gather [spmem:s13], $0x1, s29, s21, $0xb8;
	[tilespmem:$0x13000] =	vst v63  }
0x82: {  	_ =	swait.ge [sflag:s2], $0x100  }
0x83: {  	[sflag:s2] =	ssyncset.done $0x0  }
0x84: {  	[sflag:s2] =	ssyncadd.s32 $0xFFFFFF00  }
0x85: {  	_ =	swait.ge [sflag:s2], $0x100  }
0x86: {  	[sflag:s2] =	ssyncset.done $0x0  }
0x87: {  	[sflag:s2] =	ssyncadd.s32 $0xFFFFFF00  }
0x88: {  	_ =	swait.ge [sflag:s2], $0x100  }
0x89: {  	[sflag:s2] =	ssyncset.done $0x0  }
0x8a: {  	[sflag:s2] =	ssyncadd.s32 $0xFFFFFF00  }
0x8b: {  	_ =	swait.ge [sflag:s2], $0x100  }
0x8c: {  	[sflag:s2] =	ssyncset.done $0x0  }
0x8d: {  	[sflag:s2] =	ssyncadd.s32 $0xFFFFFF00  }
0x8e: {  	_ =	swait.ge [sflag:s2], $0x100  }
0x8f: {  	[sflag:s2] =	ssyncset.done $0x0  }
0x90: {  	[sflag:s2] =	ssyncadd.s32 $0xFFFFFF00  }
0x91: {  	_ =	swait.ge [sflag:s2], $0x100  }
0x92: {  	[sflag:s2] =	ssyncset.done $0x0  }
0x93: {  	[sflag:s2] =	ssyncadd.s32 $0xFFFFFF00  }
0x94: {  	_ =	swait.ge [sflag:s2], $0x100  }
0x95: {  	[sflag:s2] =	ssyncset.done $0x0  }
0x96: {  	[sflag:s2] =	ssyncadd.s32 $0xFFFFFF00  }
0x97: {  	_ =	swait.ge [sflag:s2], $0x100  }
0x98: {  	p1 =	seq.s32 s7, $0x1;
	[sflag:s2] =	ssyncset.done $0x0  }
0x99: {  	s0 =	simm.s32 @!p1 $0x6;
	[sflag:s2] =	ssyncadd.s32 $0xFFFFFF00  }
0x9a: {  	_ =	swait.ge @!p1 [sflag:s0], $0x400  }
0x9b: {  	[sflag:s0] =	ssyncset.done @!p1 $0x0  }
0x9c: {  	s3 =	simm.s32 $0x0;
	[sflag:s0] =	ssyncadd.s32 @!p1 $0xFFFFFC00  }
0x9d: {  	v0 =	vld [tilespmem:s3+$0x12600]  }
0x9e: {  	v1 =	vld [tilespmem:s3+$0x12400]  }
0x9f: {  	v2 =	vld [tilespmem:s3+$0x12200]  }
0xa0: {  	v3 =	vld [tilespmem:s3+$0x12000];
	_ =	sdelay $0x2  }
0xa1: {  	v4 =	vld [tilespmem:s3+$0x11400];
	v5 =	vand.u32 $0xFFFF0000, v0  }
0xa2: {  	v6 =	vshll.u32 v1, $0x10;
	v0 =	vshll.u32 v0, $0x10;
	v1 =	vand.u32 $0xFFFF0000, v1  }
0xa3: {  	v7 =	vshll.u32 v2, $0x10;
	v8 =	vshll.u32 v3, $0x10;
	v3 =	vand.u32 $0xFFFF0000, v3  }
0xa4: {  	v2 =	vand.u32 $0xFFFF0000, v2;
	v0 =	vsub.f32 v0, v6;
	v7 =	vsub.f32 v7, v8  }
0xa5: {  	v5 =	vsub.f32 v5, v1;
	v2 =	vsub.f32 v2, v3  }
0xa6: {  	v0 =	vmul.f32 v0, v4;
	v7 =	vmul.f32 v7, v4  }
0xa7: {  	v5 =	vmul.f32 v5, v4;
	v2 =	vmul.f32 v2, v4;
	v4 =	vld [tilespmem:s3+$0x11600]  }
0xa8: {  	v0 =	vadd.f32 v6, v0;
	v6 =	vadd.f32 v8, v7  }
0xa9: {  	v1 =	vadd.f32 v1, v5;
	v2 =	vadd.f32 v3, v2  }
0xaa: {  	v0 =	vsub.f32 v0, v6  }
0xab: {  	v1 =	vsub.f32 v1, v2  }
0xac: {  	s1 =	simm.s32 $0x0;
	v0 =	vmul.f32 v0, v4  }
0xad: {  	s30 =	simm.s32 $0x0;
	s6 =	sand.u32 $0x300, s1;
	v1 =	vmul.f32 v1, v4  }
0xae: {  	s10 =	sand.u32 $0x60, s30;
	s0 =	sor.u32 $0x12C00, s6;
	v0 =	vadd.f32 v0, v6  }
0xaf: {  	s6 =	sor.u32 s10, s0;
	v1 =	vadd.f32 v1, v2  }
0xb0: {  	[tilespmem:s6+$0x0] =	vst v0  }
0xb1: {  	[tilespmem:s6+$0x80] =	vst v1  }
0xb2: {  	v1 =	vld [tilespmem:s3+$0x12210]  }
0xb3: {  	v0 =	vld [tilespmem:s3+$0x12610]  }
0xb4: {  	v2 =	vld [tilespmem:s3+$0x12010]  }
0xb5: {  	v3 =	vld [tilespmem:s3+$0x12410];
	_ =	sdelay $0x2  }
0xb6: {  	v4 =	vld [tilespmem:s3+$0x11410]  }
0xb7: {  	v5 =	vand.u32 $0xFFFF0000, v1;
	v6 =	vand.u32 $0xFFFF0000, v0  }
0xb8: {  	v0 =	vshll.u32 v0, $0x10;
	v7 =	vand.u32 $0xFFFF0000, v2;
	v63 =	vshll.u32 v3, $0x10  }
0xb9: {  	v9 =	vand.u32 $0xFFFF0000, v3;
	v1 =	vshll.u32 v1, $0x10;
	v3 =	vsub.f32 v5, v7  }
0xba: {  	v5 =	vsub.f32 v0, v63;
	v6 =	vsub.f32 v6, v9;
	v0 =	vshll.u32 v2, $0x10  }
0xbb: {  	v2 =	vmul.f32 v3, v4;
	v3 =	vsub.f32 v1, v0  }
0xbc: {  	v5 =	vmul.f32 v5, v4;
	v6 =	vmul.f32 v6, v4  }
0xbd: {  	v1 =	vadd.f32 v7, v2;
	v2 =	vld [tilespmem:s3+$0x11610];
	v4 =	vmul.f32 v3, v4  }
0xbe: {  	s19 =	simm.s32 $0x10;
	s23 =	simm.s32 $0x80;
	s25 =	simm.s32 $0x10;
	v3 =	vadd.f32 v63, v5;
	v5 =	vadd.f32 v9, v6  }
.LBB2_6:
0xbf: {  	p1 =	sne.s32 s23, $0x780;
	v0 =	vadd.f32 v0, v4;
	s1 =	sadd.s32 $0x40, s1;
	s19 =	sadd.s32 $0x20, s19  }
0xc0: {  	s3 =	smov.u32 s23;
	s23 =	sadd.s32 $0x80, s23;
	v4 =	vsub.f32 v5, v1  }
0xc1: {  	v3 =	vsub.f32 v3, v0  }
0xc2: {  	v4 =	vmul.f32 v4, v2  }
0xc3: {  	v2 =	vmul.f32 v3, v2  }
0xc4: {  	s6 =	sand.u32 $0x70, s25;
	s25 =	smov.u32 s19;
	v1 =	vadd.f32 v4, v1  }
0xc5: {  	s0 =	sor.u32 s6, s0;
	v0 =	vadd.f32 v2, v0  }
0xc6: {  	[tilespmem:s0+$0x80] =	vst v1  }
0xc7: {  	s11 =	sshra.s32 s3, $0x2;
	[tilespmem:s0+$0x0] =	vst v0  }
0xc8: {  	v0 =	vld [tilespmem:s11+$0x12600]  }
0xc9: {  	v1 =	vld [tilespmem:s11+$0x12400]  }
0xca: {  	v2 =	vld [tilespmem:s11+$0x12200]  }
0xcb: {  	v3 =	vld [tilespmem:s11+$0x12000]  }
0xcc: {  	v4 =	vld [tilespmem:s11+$0x11400]  }
0xcd: {  	v5 =	vand.u32 $0xFFFF0000, v0  }
0xce: {  	v0 =	vshll.u32 v0, $0x10;
	v6 =	vshll.u32 v1, $0x10;
	v1 =	vand.u32 $0xFFFF0000, v1  }
0xcf: {  	v7 =	vshll.u32 v2, $0x10;
	v0 =	vsub.f32 v0, v6;
	v5 =	vsub.f32 v5, v1  }
0xd0: {  	v2 =	vand.u32 $0xFFFF0000, v2;
	v8 =	vshll.u32 v3, $0x10;
	v3 =	vand.u32 $0xFFFF0000, v3  }
0xd1: {  	v7 =	vsub.f32 v7, v8;
	v2 =	vsub.f32 v2, v3;
	v5 =	vmul.f32 v5, v4  }
0xd2: {  	v0 =	vmul.f32 v0, v4  }
0xd3: {  	v7 =	vmul.f32 v7, v4;
	v2 =	vmul.f32 v2, v4;
	v1 =	vadd.f32 v1, v5  }
0xd4: {  	v0 =	vadd.f32 v6, v0;
	v4 =	vld [tilespmem:s11+$0x11600]  }
0xd5: {  	v5 =	vadd.f32 v8, v7;
	v2 =	vadd.f32 v3, v2;
	_ =	sdelay $0x1  }
0xd6: {  	v0 =	vsub.f32 v0, v5;
	v1 =	vsub.f32 v1, v2;
	_ =	sdelay $0x1  }
0xd7: {  	v0 =	vmul.f32 v0, v4;
	v1 =	vmul.f32 v1, v4  }
0xd8: {  	s3 =	sand.u32 $0x300, s1;
	s0 =	sadd.s32 $0xFFFFFFF0, s19  }
0xd9: {  	s6 =	sand.u32 $0x60, s0;
	s0 =	sor.u32 $0x12C00, s3;
	v0 =	vadd.f32 v0, v5;
	v1 =	vadd.f32 v1, v2  }
0xda: {  	s3 =	sor.u32 s6, s0  }
0xdb: {  	[tilespmem:s3+$0x0] =	vst v0  }
0xdc: {  	[tilespmem:s3+$0x80] =	vst v1  }
0xdd: {  	v1 =	vld [tilespmem:s11+$0x12210]  }
0xde: {  	v2 =	vld [tilespmem:s11+$0x12610]  }
0xdf: {  	v3 =	vld [tilespmem:s11+$0x12010]  }
0xe0: {  	v4 =	vld [tilespmem:s11+$0x12410];
	_ =	sdelay $0x1  }
0xe1: {  	v5 =	vld [tilespmem:s11+$0x11410]  }
0xe2: {  	v6 =	vand.u32 $0xFFFF0000, v1;
	v7 =	vand.u32 $0xFFFF0000, v2  }
0xe3: {  	v2 =	vshll.u32 v2, $0x10;
	v0 =	vshll.u32 v3, $0x10;
	v3 =	vand.u32 $0xFFFF0000, v3  }
0xe4: {  	v8 =	vshll.u32 v4, $0x10;
	v9 =	vand.u32 $0xFFFF0000, v4;
	v4 =	vsub.f32 v6, v3  }
.Ltmp2:
0xe5: {  	v1 =	vshll.u32 v1, $0x10;
	v2 =	vsub.f32 v2, v8;
	v6 =	vsub.f32 v7, v9;
	(pc) =	sbr.rel @p1 .LBB2_6-.Ltmp2, $4  }
0xe6: {  	v1 =	vsub.f32 v1, v0;
	v7 =	vmul.f32 v4, v5  }
0xe7: {  	v10 =	vmul.f32 v2, v5;
	v6 =	vmul.f32 v6, v5  }
0xe8: {  	v4 =	vmul.f32 v1, v5;
	v2 =	vld [tilespmem:s11+$0x11610];
	v1 =	vadd.f32 v3, v7  }
0xe9: {  	v3 =	vadd.f32 v8, v10;
	v5 =	vadd.f32 v9, v6  }
0xea: {  	v0 =	vadd.f32 v0, v4  }
0xeb: {  	v61 =	vsub.f32 v5, v1  }
0xec: {  	v3 =	vsub.f32 v3, v0  }
0xed: {  	v4 =	vmul.f32 v61, v2  }
0xee: {  	p1 =	seq.s32 s7, $0x63;
	v62 =	vmul.f32 v3, v2  }
.Ltmp3:
0xef: {  	s1 =	sand.u32 $0x70, s25;
	s25 =	rddreg [dreg:$0xa];
	v63 =	vadd.f32 v4, v1;
	(pc) =	sbr.rel @p1 .LBB2_9-.Ltmp3, $4  }
0xf0: {  	s0 =	sor.u32 s1, s0;
	s1 =	sadd.s32 s25, s16;
	v0 =	vadd.f32 v62, v0  }
0xf1: {  	s28 =	rddreg [dreg:$0x2];
	s1 =	sshrl.u32 s1, $0x3;
	[tilespmem:s0+$0x80] =	vst v63  }
0xf2: {  	s30 =	simm.s32 $0x12C00;
	[tilespmem:s0+$0x0] =	vst v0;
	s0 =	sadd.s32 s28, s1  }
0xf3: {  	[hbm4b:s0+s5] =	stream.linear.scatter [tilespmem:s30], [sflag:$0x6], $0x400, $0x38;
	[tilespmem:$0x13000] =	vst v63  }
.LBB2_8:
0xf4: {  	s0 =	rddreg [dreg:$0xb]  }
0xf5: {  	s0 =	sadd.s32 s0, s16  }
0xf6: {  	s1 =	rddreg [dreg:$0x0];
	s0 =	sshrl.u32 s0, $0x3  }
0xf7: {  	s30 =	simm.s32 $0x10000;
	s0 =	sadd.s32 s1, s0  }
0xf8: {  	[tilespmem:s30], [sflag:$0x1] =	stream.linear.gather [hbm4b:s0+s5], $0x400, $0x38;
	[tilespmem:$0x13000] =	vst v63  }
.LBB2_9:
0xf9: {  	s0 =	simm.s32 $0x0  }
0xfa: {  	_ =	swait.ge [sflag:s8], $0x400;
	s1 =	simm.s32 $0x0;
	s0 =	sand.u32 $0x300, s0  }
0xfb: {  	[sflag:s8] =	ssyncset.done $0x0;
	s1 =	sand.u32 $0x60, s1;
	s3 =	sor.u32 $0x10400, s0  }
0xfc: {  	[sflag:s8] =	ssyncadd.s32 $0xFFFFFC00;
	s0 =	sor.u32 s1, s3  }
0xfd: {  	v0 =	vld [tilespmem:s0+$0x0]  }
0xfe: {  	v1 =	vld [tilespmem:s0+$0x80];
	_ =	sdelay $0x4  }
0xff: {  	v0 =	vmul.f32 $1.023000000e+03, v0;
	v1 =	vmul.f32 $1.023000000e+03, v1;
	_ =	sdelay $0x1  }
0x100: {  	v2 =	vtrunc.f32 v0;
	v3 =	vtrunc.f32 v1  }
0x101: {  	v2 =	vcvt.f32.s32 v2;
	v3 =	vcvt.f32.s32 v3;
	_ =	sdelay $0x1  }
0x102: {  	v4 =	vcvt.s32.f32 v2;
	v5 =	vshll.u32 v3, $0xA  }
0x103: {  	s10 =	simm.s32 $0x10C10;
	v3 =	vcvt.s32.f32 v3;
	v2 =	vadd.s32 v2, v5  }
0x104: {  	s28 =	simm.s32 $0x10E10;
	v0 =	vsub.f32 v0, v4;
	[tilespmem:s10+$0xFFFFFFF0] =	vst v2;
	v2 =	vadd.s32 $0x1, v2  }
0x105: {  	s30 =	simm.s32 $0x10;
	s11 =	simm.s32 $0x11410;
	v1 =	vsub.f32 v1, v3;
	[tilespmem:s28+$0xFFFFFFF0] =	vst v2  }
0x106: {  	s1 =	sand.u32 $0x70, s30;
	s0 =	simm.s32 $0x11610;
	[tilespmem:s11+$0xFFFFFFF0] =	vst v0  }
0x107: {  	s1 =	sor.u32 s1, s3;
	[tilespmem:s0+$0xFFFFFFF0] =	vst v1  }
0x108: {  	v0 =	vld [tilespmem:s1+$0x0]  }
0x109: {  	v1 =	vld [tilespmem:s1+$0x80];
	_ =	sdelay $0x4  }
0x10a: {  	v0 =	vmul.f32 $1.023000000e+03, v0;
	v1 =	vmul.f32 $1.023000000e+03, v1;
	_ =	sdelay $0x1  }
0x10b: {  	v2 =	vtrunc.f32 v0;
	v3 =	vtrunc.f32 v1  }
0x10c: {  	v2 =	vcvt.f32.s32 v2;
	v3 =	vcvt.f32.s32 v3;
	_ =	sdelay $0x1  }
0x10d: {  	s25 =	simm.s32 $0x30;
	v62 =	vcvt.s32.f32 v2;
	v63 =	vcvt.s32.f32 v3;
	v3 =	vshll.u32 v3, $0xA  }
0x10e: {  	s6 =	simm.s32 $0x50;
	s16 =	simm.s32 $0x11430;
	s12 =	simm.s32 $0x40;
	v2 =	vadd.s32 v2, v3  }
0x10f: {  	s19 =	simm.s32 $0x10E30;
	s23 =	simm.s32 $0x10C30;
	s1 =	simm.s32 $0x11630;
	v0 =	vsub.f32 v0, v62;
	v1 =	vsub.f32 v1, v63;
	[tilespmem:s10+$0x0] =	vst v2;
	v2 =	vadd.s32 $0x1, v2  }
.LBB2_10:
0x110: {  	s10 =	sadd.s32 $0xFFFFFFF0, s25;
	s22 =	sand.u32 $0x300, s12  }
0x111: {  	[tilespmem:s28+$0x0] =	vst v2;
	s24 =	smov.u32 s6;
	s3 =	sadd.s32 $0x20, s6;
	s28 =	smov.u32 s19  }
0x112: {  	p1 =	sne.s32 s6, $0x1F0;
	s6 =	sand.u32 $0x60, s10;
	s10 =	sor.u32 $0x10400, s22;
	[tilespmem:s11+$0x0] =	vst v0  }
0x113: {  	s11 =	smov.u32 s16;
	s6 =	sor.u32 s6, s10;
	[tilespmem:s0+$0x0] =	vst v1;
	s0 =	smov.u32 s1  }
0x114: {  	v0 =	vld [tilespmem:s6+$0x0]  }
0x115: {  	v1 =	vld [tilespmem:s6+$0x80];
	_ =	sdelay $0x3  }
0x116: {  	v0 =	vmul.f32 $1.023000000e+03, v0  }
0x117: {  	v1 =	vmul.f32 $1.023000000e+03, v1  }
0x118: {  	v2 =	vtrunc.f32 v0  }
0x119: {  	v2 =	vcvt.f32.s32 v2;
	v3 =	vtrunc.f32 v1  }
0x11a: {  	v3 =	vcvt.f32.s32 v3  }
0x11b: {  	v4 =	vcvt.s32.f32 v2  }
0x11c: {  	v5 =	vcvt.s32.f32 v3;
	v3 =	vshll.u32 v3, $0xA  }
0x11d: {  	v0 =	vsub.f32 v0, v4;
	v2 =	vadd.s32 v2, v3  }
0x11e: {  	v1 =	vsub.f32 v1, v5;
	[tilespmem:s23+$0xFFFFFFF0] =	vst v2;
	v2 =	vadd.s32 $0x1, v2  }
0x11f: {  	[tilespmem:s19+$0xFFFFFFF0] =	vst v2  }
0x120: {  	s6 =	sand.u32 $0x70, s25;
	s25 =	smov.u32 s24;
	[tilespmem:s16+$0xFFFFFFF0] =	vst v0  }
0x121: {  	s6 =	sor.u32 s6, s10;
	[tilespmem:s1+$0xFFFFFFF0] =	vst v1  }
0x122: {  	v0 =	vld [tilespmem:s6+$0x0]  }
0x123: {  	v1 =	vld [tilespmem:s6+$0x80];
	_ =	sdelay $0x3  }
0x124: {  	v0 =	vmul.f32 $1.023000000e+03, v0  }
0x125: {  	v1 =	vmul.f32 $1.023000000e+03, v1  }
0x126: {  	v2 =	vtrunc.f32 v0  }
0x127: {  	v2 =	vcvt.f32.s32 v2;
	v3 =	vtrunc.f32 v1  }
.Ltmp4:
0x128: {  	v3 =	vcvt.f32.s32 v3;
	(pc) =	sbr.rel @p1 .LBB2_10-.Ltmp4, $4  }
0x129: {  	v4 =	vcvt.s32.f32 v2  }
0x12a: {  	v5 =	vcvt.s32.f32 v3;
	v3 =	vshll.u32 v3, $0xA  }
0x12b: {  	s12 =	sadd.s32 $0x40, s12;
	s16 =	sadd.s32 $0x20, s16;
	s1 =	sadd.s32 $0x20, s1;
	v0 =	vsub.f32 v0, v4;
	v2 =	vadd.s32 v2, v3  }
0x12c: {  	s19 =	sadd.s32 $0x20, s19;
	s6 =	smov.u32 s3;
	v1 =	vsub.f32 v1, v5;
	[tilespmem:s23+$0x0] =	vst v2;
	v2 =	vadd.s32 $0x1, v2;
	s23 =	sadd.s32 $0x20, s23  }
0x12d: {  	s3 =	sadd.s32 $0xFFFFFFF0, s25;
	s6 =	sand.u32 $0x300, s12;
	[tilespmem:s28+$0x0] =	vst v2  }
0x12e: {  	s3 =	sand.u32 $0x60, s3;
	s6 =	sor.u32 $0x10400, s6;
	[tilespmem:s11+$0x0] =	vst v0  }
0x12f: {  	s3 =	sor.u32 s3, s6;
	[tilespmem:s0+$0x0] =	vst v1  }
0x130: {  	v0 =	vld [tilespmem:s3+$0x0]  }
0x131: {  	v1 =	vld [tilespmem:s3+$0x80];
	_ =	sdelay $0x4  }
0x132: {  	v0 =	vmul.f32 $1.023000000e+03, v0;
	v1 =	vmul.f32 $1.023000000e+03, v1;
	_ =	sdelay $0x1  }
0x133: {  	v2 =	vtrunc.f32 v0;
	v3 =	vtrunc.f32 v1  }
0x134: {  	v2 =	vcvt.f32.s32 v2;
	v3 =	vcvt.f32.s32 v3;
	_ =	sdelay $0x1  }
0x135: {  	v4 =	vcvt.s32.f32 v2;
	v5 =	vshll.u32 v3, $0xA  }
0x136: {  	v3 =	vcvt.s32.f32 v3;
	v2 =	vadd.s32 v2, v5  }
0x137: {  	v0 =	vsub.f32 v0, v4;
	[tilespmem:s23+$0xFFFFFFF0] =	vst v2;
	v2 =	vadd.s32 $0x1, v2  }
0x138: {  	v1 =	vsub.f32 v1, v3;
	[tilespmem:s19+$0xFFFFFFF0] =	vst v2  }
0x139: {  	s3 =	sand.u32 $0x70, s25;
	[tilespmem:s16+$0xFFFFFFF0] =	vst v0  }
0x13a: {  	s0 =	sor.u32 s3, s6;
	[tilespmem:s1+$0xFFFFFFF0] =	vst v1  }
0x13b: {  	v0 =	vld [tilespmem:s0+$0x0]  }
0x13c: {  	v1 =	vld [tilespmem:s0+$0x80];
	_ =	sdelay $0x4  }
0x13d: {  	v0 =	vmul.f32 $1.023000000e+03, v0;
	v1 =	vmul.f32 $1.023000000e+03, v1;
	_ =	sdelay $0x1  }
0x13e: {  	v2 =	vtrunc.f32 v0;
	v3 =	vtrunc.f32 v1  }
0x13f: {  	v2 =	vcvt.f32.s32 v2;
	v3 =	vcvt.f32.s32 v3;
	_ =	sdelay $0x1  }
0x140: {  	v4 =	vcvt.s32.f32 v2;
	v5 =	vshll.u32 v3, $0xA  }
0x141: {  	v3 =	vcvt.s32.f32 v3;
	v2 =	vadd.s32 v2, v5  }
0x142: {  	v0 =	vsub.f32 v0, v4;
	[tilespmem:s23+$0x0] =	vst v2;
	v2 =	vadd.s32 $0x1, v2  }
0x143: {  	v1 =	vsub.f32 v1, v3;
	[tilespmem:s19+$0x0] =	vst v2  }
0x144: {  	[tilespmem:s16+$0x0] =	vst v0  }
0x145: {  	s10 =	simm.s32 $0x12000;
	[tilespmem:s1+$0x0] =	vst v1  }
0x146: {  	[tilespmem:s10], [sflag:$0x4] =	stream.indirect.gather [spmem:s4], $0x1, s9, s21, $0xb8;
	[tilespmem:$0x13000] =	vst v63  }
0x147: {  	s11 =	simm.s32 $0x12100  }
0x148: {  	[tilespmem:s11], [sflag:$0x4] =	stream.indirect.gather [spmem:s4], $0x1, s15, s21, $0xb8;
	[tilespmem:$0x13000] =	vst v63  }
0x149: {  	s12 =	simm.s32 $0x12200  }
0x14a: {  	[tilespmem:s12], [sflag:$0x4] =	stream.indirect.gather [spmem:s4], $0x1, s17, s21, $0xb8;
	[tilespmem:$0x13000] =	vst v63  }
0x14b: {  	s16 =	simm.s32 $0x12300  }
0x14c: {  	[tilespmem:s16], [sflag:$0x4] =	stream.indirect.gather [spmem:s4], $0x1, s18, s21, $0xb8;
	[tilespmem:$0x13000] =	vst v63  }
0x14d: {  	s19 =	simm.s32 $0x12400  }
0x14e: {  	[tilespmem:s19], [sflag:$0x4] =	stream.indirect.gather [spmem:s13], $0x1, s9, s21, $0xb8;
	[tilespmem:$0x13000] =	vst v63  }
0x14f: {  	s22 =	simm.s32 $0x12500  }
0x150: {  	[tilespmem:s22], [sflag:$0x4] =	stream.indirect.gather [spmem:s13], $0x1, s15, s21, $0xb8;
	[tilespmem:$0x13000] =	vst v63  }
0x151: {  	s23 =	simm.s32 $0x12600  }
0x152: {  	[tilespmem:s23], [sflag:$0x4] =	stream.indirect.gather [spmem:s13], $0x1, s17, s21, $0xb8;
	[tilespmem:$0x13000] =	vst v63  }
0x153: {  	s24 =	simm.s32 $0x12700  }
0x154: {  	[tilespmem:s24], [sflag:$0x4] =	stream.indirect.gather [spmem:s13], $0x1, s18, s21, $0xb8;
	[tilespmem:$0x13000] =	vst v63  }
0x155: {  	_ =	swait.ge [sflag:s31], $0x100  }
0x156: {  	[sflag:s31] =	ssyncset.done $0x0  }
0x157: {  	[sflag:s31] =	ssyncadd.s32 $0xFFFFFF00  }
0x158: {  	_ =	swait.ge [sflag:s31], $0x100  }
0x159: {  	[sflag:s31] =	ssyncset.done $0x0  }
0x15a: {  	[sflag:s31] =	ssyncadd.s32 $0xFFFFFF00  }
0x15b: {  	_ =	swait.ge [sflag:s31], $0x100  }
0x15c: {  	[sflag:s31] =	ssyncset.done $0x0  }
0x15d: {  	[sflag:s31] =	ssyncadd.s32 $0xFFFFFF00  }
0x15e: {  	_ =	swait.ge [sflag:s31], $0x100  }
0x15f: {  	[sflag:s31] =	ssyncset.done $0x0  }
0x160: {  	[sflag:s31] =	ssyncadd.s32 $0xFFFFFF00  }
0x161: {  	_ =	swait.ge [sflag:s31], $0x100  }
0x162: {  	[sflag:s31] =	ssyncset.done $0x0  }
0x163: {  	[sflag:s31] =	ssyncadd.s32 $0xFFFFFF00  }
0x164: {  	_ =	swait.ge [sflag:s31], $0x100  }
0x165: {  	[sflag:s31] =	ssyncset.done $0x0  }
0x166: {  	[sflag:s31] =	ssyncadd.s32 $0xFFFFFF00  }
0x167: {  	_ =	swait.ge [sflag:s31], $0x100  }
0x168: {  	[sflag:s31] =	ssyncset.done $0x0  }
0x169: {  	[sflag:s31] =	ssyncadd.s32 $0xFFFFFF00  }
0x16a: {  	_ =	swait.ge [sflag:s31], $0x100  }
0x16b: {  	[sflag:s31] =	ssyncset.done $0x0  }
0x16c: {  	s0 =	simm.s32 @!p0 $0x5;
	[sflag:s31] =	ssyncadd.s32 $0xFFFFFF00  }
0x16d: {  	_ =	swait.ge @!p0 [sflag:s0], $0x400  }
0x16e: {  	[sflag:s0] =	ssyncset.done @!p0 $0x0  }
0x16f: {  	s25 =	simm.s32 $0x0;
	[sflag:s0] =	ssyncadd.s32 @!p0 $0xFFFFFC00  }
0x170: {  	v0 =	vld [tilespmem:s25+$0x11E00]  }
0x171: {  	v1 =	vld [tilespmem:s25+$0x11C00]  }
0x172: {  	v2 =	vld [tilespmem:s25+$0x11A00]  }
0x173: {  	v3 =	vld [tilespmem:s25+$0x11800];
	_ =	sdelay $0x2  }
0x174: {  	v4 =	vld [tilespmem:s25+$0x11000];
	v5 =	vand.u32 $0xFFFF0000, v0  }
0x175: {  	v6 =	vshll.u32 v1, $0x10;
	v0 =	vshll.u32 v0, $0x10;
	v1 =	vand.u32 $0xFFFF0000, v1  }
0x176: {  	v7 =	vshll.u32 v2, $0x10;
	v8 =	vshll.u32 v3, $0x10;
	v3 =	vand.u32 $0xFFFF0000, v3  }
0x177: {  	v2 =	vand.u32 $0xFFFF0000, v2;
	v0 =	vsub.f32 v0, v6;
	v7 =	vsub.f32 v7, v8  }
0x178: {  	v5 =	vsub.f32 v5, v1;
	v2 =	vsub.f32 v2, v3  }
0x179: {  	v0 =	vmul.f32 v0, v4;
	v7 =	vmul.f32 v7, v4  }
0x17a: {  	v5 =	vmul.f32 v5, v4;
	v2 =	vmul.f32 v2, v4;
	v4 =	vld [tilespmem:s25+$0x11200]  }
0x17b: {  	v0 =	vadd.f32 v6, v0;
	v6 =	vadd.f32 v8, v7  }
0x17c: {  	v1 =	vadd.f32 v1, v5;
	v2 =	vadd.f32 v3, v2  }
0x17d: {  	v0 =	vsub.f32 v0, v6  }
0x17e: {  	v1 =	vsub.f32 v1, v2  }
0x17f: {  	s1 =	simm.s32 $0x0;
	v0 =	vmul.f32 v0, v4  }
0x180: {  	s28 =	simm.s32 $0x0;
	s30 =	sand.u32 $0x300, s1;
	v1 =	vmul.f32 v1, v4  }
0x181: {  	s10 =	sand.u32 $0x60, s28;
	s0 =	sor.u32 $0x12800, s30;
	v0 =	vadd.f32 v0, v6  }
0x182: {  	s6 =	sor.u32 s10, s0;
	v1 =	vadd.f32 v1, v2  }
0x183: {  	[tilespmem:s6+$0x0] =	vst v0  }
0x184: {  	[tilespmem:s6+$0x80] =	vst v1  }
0x185: {  	v1 =	vld [tilespmem:s25+$0x11A10]  }
0x186: {  	v0 =	vld [tilespmem:s25+$0x11E10]  }
0x187: {  	v2 =	vld [tilespmem:s25+$0x11810]  }
0x188: {  	v3 =	vld [tilespmem:s25+$0x11C10];
	_ =	sdelay $0x2  }
0x189: {  	v4 =	vld [tilespmem:s25+$0x11010]  }
0x18a: {  	v5 =	vand.u32 $0xFFFF0000, v1;
	v6 =	vand.u32 $0xFFFF0000, v0  }
0x18b: {  	v0 =	vshll.u32 v0, $0x10;
	v7 =	vand.u32 $0xFFFF0000, v2;
	v63 =	vshll.u32 v3, $0x10  }
0x18c: {  	v9 =	vand.u32 $0xFFFF0000, v3;
	v1 =	vshll.u32 v1, $0x10;
	v3 =	vsub.f32 v5, v7  }
0x18d: {  	v5 =	vsub.f32 v0, v63;
	v6 =	vsub.f32 v6, v9;
	v0 =	vshll.u32 v2, $0x10  }
0x18e: {  	v2 =	vmul.f32 v3, v4;
	v3 =	vsub.f32 v1, v0  }
0x18f: {  	v5 =	vmul.f32 v5, v4;
	v6 =	vmul.f32 v6, v4  }
0x190: {  	v1 =	vadd.f32 v7, v2;
	v2 =	vld [tilespmem:s25+$0x11210];
	v4 =	vmul.f32 v3, v4  }
0x191: {  	s16 =	simm.s32 $0x10;
	s19 =	simm.s32 $0x80;
	s23 =	simm.s32 $0x10;
	v3 =	vadd.f32 v63, v5;
	v5 =	vadd.f32 v9, v6  }
.LBB2_12:
0x192: {  	p0 =	sne.s32 s19, $0x780;
	v0 =	vadd.f32 v0, v4;
	s1 =	sadd.s32 $0x40, s1;
	s16 =	sadd.s32 $0x20, s16  }
0x193: {  	s3 =	smov.u32 s19;
	s19 =	sadd.s32 $0x80, s19;
	v4 =	vsub.f32 v5, v1  }
0x194: {  	v3 =	vsub.f32 v3, v0  }
0x195: {  	v4 =	vmul.f32 v4, v2  }
0x196: {  	v2 =	vmul.f32 v3, v2  }
0x197: {  	s6 =	sand.u32 $0x70, s23;
	s23 =	smov.u32 s16;
	v1 =	vadd.f32 v4, v1  }
0x198: {  	s0 =	sor.u32 s6, s0;
	v0 =	vadd.f32 v2, v0  }
0x199: {  	[tilespmem:s0+$0x80] =	vst v1  }
0x19a: {  	s11 =	sshra.s32 s3, $0x2;
	[tilespmem:s0+$0x0] =	vst v0  }
0x19b: {  	v0 =	vld [tilespmem:s11+$0x11E00]  }
0x19c: {  	v1 =	vld [tilespmem:s11+$0x11C00]  }
0x19d: {  	v2 =	vld [tilespmem:s11+$0x11A00]  }
0x19e: {  	v3 =	vld [tilespmem:s11+$0x11800]  }
0x19f: {  	v4 =	vld [tilespmem:s11+$0x11000]  }
0x1a0: {  	v5 =	vand.u32 $0xFFFF0000, v0  }
0x1a1: {  	v0 =	vshll.u32 v0, $0x10;
	v6 =	vshll.u32 v1, $0x10;
	v1 =	vand.u32 $0xFFFF0000, v1  }
0x1a2: {  	v7 =	vshll.u32 v2, $0x10;
	v0 =	vsub.f32 v0, v6;
	v5 =	vsub.f32 v5, v1  }
0x1a3: {  	v2 =	vand.u32 $0xFFFF0000, v2;
	v8 =	vshll.u32 v3, $0x10;
	v3 =	vand.u32 $0xFFFF0000, v3  }
0x1a4: {  	v7 =	vsub.f32 v7, v8;
	v2 =	vsub.f32 v2, v3;
	v5 =	vmul.f32 v5, v4  }
0x1a5: {  	v0 =	vmul.f32 v0, v4  }
0x1a6: {  	v7 =	vmul.f32 v7, v4;
	v2 =	vmul.f32 v2, v4;
	v1 =	vadd.f32 v1, v5  }
0x1a7: {  	v0 =	vadd.f32 v6, v0;
	v4 =	vld [tilespmem:s11+$0x11200]  }
0x1a8: {  	v5 =	vadd.f32 v8, v7;
	v2 =	vadd.f32 v3, v2;
	_ =	sdelay $0x1  }
0x1a9: {  	v0 =	vsub.f32 v0, v5;
	v1 =	vsub.f32 v1, v2;
	_ =	sdelay $0x1  }
0x1aa: {  	v0 =	vmul.f32 v0, v4;
	v1 =	vmul.f32 v1, v4  }
0x1ab: {  	s3 =	sand.u32 $0x300, s1;
	s0 =	sadd.s32 $0xFFFFFFF0, s16  }
0x1ac: {  	s6 =	sand.u32 $0x60, s0;
	s0 =	sor.u32 $0x12800, s3;
	v0 =	vadd.f32 v0, v5;
	v1 =	vadd.f32 v1, v2  }
0x1ad: {  	s3 =	sor.u32 s6, s0  }
0x1ae: {  	[tilespmem:s3+$0x0] =	vst v0  }
0x1af: {  	[tilespmem:s3+$0x80] =	vst v1  }
0x1b0: {  	v1 =	vld [tilespmem:s11+$0x11A10]  }
0x1b1: {  	v2 =	vld [tilespmem:s11+$0x11E10]  }
0x1b2: {  	v3 =	vld [tilespmem:s11+$0x11810]  }
0x1b3: {  	v4 =	vld [tilespmem:s11+$0x11C10];
	_ =	sdelay $0x1  }
0x1b4: {  	v5 =	vld [tilespmem:s11+$0x11010]  }
0x1b5: {  	v6 =	vand.u32 $0xFFFF0000, v1;
	v7 =	vand.u32 $0xFFFF0000, v2  }
0x1b6: {  	v2 =	vshll.u32 v2, $0x10;
	v0 =	vshll.u32 v3, $0x10;
	v3 =	vand.u32 $0xFFFF0000, v3  }
0x1b7: {  	v8 =	vshll.u32 v4, $0x10;
	v9 =	vand.u32 $0xFFFF0000, v4;
	v4 =	vsub.f32 v6, v3  }
.Ltmp5:
0x1b8: {  	v1 =	vshll.u32 v1, $0x10;
	v2 =	vsub.f32 v2, v8;
	v6 =	vsub.f32 v7, v9;
	(pc) =	sbr.rel @p0 .LBB2_12-.Ltmp5, $4  }
0x1b9: {  	v1 =	vsub.f32 v1, v0;
	v7 =	vmul.f32 v4, v5  }
0x1ba: {  	v10 =	vmul.f32 v2, v5;
	v6 =	vmul.f32 v6, v5  }
0x1bb: {  	v4 =	vmul.f32 v1, v5;
	v2 =	vld [tilespmem:s11+$0x11210];
	v1 =	vadd.f32 v3, v7  }
0x1bc: {  	v3 =	vadd.f32 v8, v10;
	v5 =	vadd.f32 v9, v6  }
0x1bd: {  	v0 =	vadd.f32 v0, v4  }
0x1be: {  	v61 =	vsub.f32 v5, v1  }
0x1bf: {  	v3 =	vsub.f32 v3, v0  }
0x1c0: {  	s7 =	sadd.s32 $0x1, s7;
	v4 =	vmul.f32 v61, v2  }
0x1c1: {  	p0 =	sne.s32 s7, $0x64;
	v62 =	vmul.f32 v3, v2  }
.Ltmp6:
0x1c2: {  	s1 =	sand.u32 $0x70, s23;
	v63 =	vadd.f32 v4, v1;
	(pc) =	sbr.rel @p0 .LBB2_2-.Ltmp6, $4  }
0x1c3: {  	s0 =	sor.u32 s1, s0;
	v0 =	vadd.f32 v62, v0  }
0x1c4: {  	s28 =	rddreg [dreg:$0x2];
	[tilespmem:s0+$0x80] =	vst v63  }
0x1c5: {  	s30 =	simm.s32 $0x12800;
	[tilespmem:s0+$0x0] =	vst v0;
	s0 =	sadd.s32 s28, s14  }
0x1c6: {  	[hbm4b:s0+s5] =	stream.linear.scatter [tilespmem:s30], [sflag:$0x5], $0x400, $0x38;
	[tilespmem:$0x13000] =	vst v63  }
0x1c7: {  	_ =	swait.ge [sflag:s2], $0x100  }
0x1c8: {  	[sflag:s2] =	ssyncset.done $0x0  }
0x1c9: {  	[sflag:s2] =	ssyncadd.s32 $0xFFFFFF00  }
0x1ca: {  	_ =	swait.ge [sflag:s2], $0x100  }
0x1cb: {  	[sflag:s2] =	ssyncset.done $0x0  }
0x1cc: {  	[sflag:s2] =	ssyncadd.s32 $0xFFFFFF00  }
0x1cd: {  	_ =	swait.ge [sflag:s2], $0x100  }
0x1ce: {  	[sflag:s2] =	ssyncset.done $0x0  }
0x1cf: {  	[sflag:s2] =	ssyncadd.s32 $0xFFFFFF00  }
0x1d0: {  	_ =	swait.ge [sflag:s2], $0x100  }
0x1d1: {  	[sflag:s2] =	ssyncset.done $0x0  }
0x1d2: {  	[sflag:s2] =	ssyncadd.s32 $0xFFFFFF00  }
0x1d3: {  	_ =	swait.ge [sflag:s2], $0x100  }
0x1d4: {  	[sflag:s2] =	ssyncset.done $0x0  }
0x1d5: {  	[sflag:s2] =	ssyncadd.s32 $0xFFFFFF00  }
0x1d6: {  	_ =	swait.ge [sflag:s2], $0x100  }
0x1d7: {  	[sflag:s2] =	ssyncset.done $0x0  }
0x1d8: {  	[sflag:s2] =	ssyncadd.s32 $0xFFFFFF00  }
0x1d9: {  	_ =	swait.ge [sflag:s2], $0x100  }
0x1da: {  	[sflag:s2] =	ssyncset.done $0x0  }
0x1db: {  	[sflag:s2] =	ssyncadd.s32 $0xFFFFFF00  }
0x1dc: {  	_ =	swait.ge [sflag:s2], $0x100  }
0x1dd: {  	[sflag:s2] =	ssyncset.done $0x0  }
0x1de: {  	s10 =	simm.s32 $0x6;
	[sflag:s2] =	ssyncadd.s32 $0xFFFFFF00  }
0x1df: {  	_ =	swait.ge [sflag:s10], $0x400  }
0x1e0: {  	[sflag:s10] =	ssyncset.done $0x0  }
0x1e1: {  	s3 =	simm.s32 $0x0;
	[sflag:s10] =	ssyncadd.s32 $0xFFFFFC00  }
0x1e2: {  	v0 =	vld [tilespmem:s3+$0x12600]  }
0x1e3: {  	v1 =	vld [tilespmem:s3+$0x12400]  }
0x1e4: {  	v2 =	vld [tilespmem:s3+$0x12200]  }
0x1e5: {  	v3 =	vld [tilespmem:s3+$0x12000];
	_ =	sdelay $0x2  }
0x1e6: {  	v4 =	vld [tilespmem:s3+$0x11400];
	v5 =	vand.u32 $0xFFFF0000, v0  }
0x1e7: {  	v6 =	vshll.u32 v1, $0x10;
	v0 =	vshll.u32 v0, $0x10;
	v1 =	vand.u32 $0xFFFF0000, v1  }
0x1e8: {  	v7 =	vshll.u32 v2, $0x10;
	v8 =	vshll.u32 v3, $0x10;
	v3 =	vand.u32 $0xFFFF0000, v3  }
0x1e9: {  	v2 =	vand.u32 $0xFFFF0000, v2;
	v0 =	vsub.f32 v0, v6;
	v7 =	vsub.f32 v7, v8  }
0x1ea: {  	v5 =	vsub.f32 v5, v1;
	v2 =	vsub.f32 v2, v3  }
0x1eb: {  	v0 =	vmul.f32 v0, v4;
	v7 =	vmul.f32 v7, v4  }
0x1ec: {  	v5 =	vmul.f32 v5, v4;
	v2 =	vmul.f32 v2, v4;
	v4 =	vld [tilespmem:s3+$0x11600]  }
0x1ed: {  	v0 =	vadd.f32 v6, v0;
	v6 =	vadd.f32 v8, v7  }
0x1ee: {  	v1 =	vadd.f32 v1, v5;
	v2 =	vadd.f32 v3, v2  }
0x1ef: {  	v0 =	vsub.f32 v0, v6  }
0x1f0: {  	v1 =	vsub.f32 v1, v2  }
0x1f1: {  	s1 =	simm.s32 $0x0;
	v0 =	vmul.f32 v0, v4  }
0x1f2: {  	s0 =	simm.s32 $0x0;
	s6 =	sand.u32 $0x300, s1;
	v1 =	vmul.f32 v1, v4  }
0x1f3: {  	s7 =	sand.u32 $0x60, s0;
	s0 =	sor.u32 $0x12C00, s6;
	v0 =	vadd.f32 v0, v6  }
0x1f4: {  	s6 =	sor.u32 s7, s0;
	v1 =	vadd.f32 v1, v2  }
0x1f5: {  	[tilespmem:s6+$0x0] =	vst v0  }
0x1f6: {  	[tilespmem:s6+$0x80] =	vst v1  }
0x1f7: {  	v1 =	vld [tilespmem:s3+$0x12210]  }
0x1f8: {  	v0 =	vld [tilespmem:s3+$0x12610]  }
0x1f9: {  	v2 =	vld [tilespmem:s3+$0x12010]  }
0x1fa: {  	v3 =	vld [tilespmem:s3+$0x12410];
	_ =	sdelay $0x2  }
0x1fb: {  	v4 =	vld [tilespmem:s3+$0x11410]  }
0x1fc: {  	v5 =	vand.u32 $0xFFFF0000, v1;
	v6 =	vand.u32 $0xFFFF0000, v0  }
0x1fd: {  	v0 =	vshll.u32 v0, $0x10;
	v7 =	vand.u32 $0xFFFF0000, v2;
	v63 =	vshll.u32 v3, $0x10  }
0x1fe: {  	v9 =	vand.u32 $0xFFFF0000, v3;
	v1 =	vshll.u32 v1, $0x10;
	v3 =	vsub.f32 v5, v7  }
0x1ff: {  	v5 =	vsub.f32 v0, v63;
	v6 =	vsub.f32 v6, v9;
	v0 =	vshll.u32 v2, $0x10  }
0x200: {  	v2 =	vmul.f32 v3, v4;
	v3 =	vsub.f32 v1, v0  }
0x201: {  	v5 =	vmul.f32 v5, v4;
	v6 =	vmul.f32 v6, v4  }
0x202: {  	v1 =	vadd.f32 v7, v2;
	v2 =	vld [tilespmem:s3+$0x11610];
	v4 =	vmul.f32 v3, v4  }
0x203: {  	s14 =	simm.s32 $0x80;
	s16 =	simm.s32 $0x10;
	s7 =	simm.s32 $0x10;
	v3 =	vadd.f32 v63, v5;
	v5 =	vadd.f32 v9, v6  }
.LBB2_15:
0x204: {  	p0 =	sne.s32 s14, $0x780;
	v0 =	vadd.f32 v0, v4;
	s1 =	sadd.s32 $0x40, s1;
	s7 =	sadd.s32 $0x20, s7  }
0x205: {  	s3 =	smov.u32 s14;
	s14 =	sadd.s32 $0x80, s14;
	v4 =	vsub.f32 v5, v1  }
0x206: {  	v3 =	vsub.f32 v3, v0  }
0x207: {  	v4 =	vmul.f32 v4, v2  }
0x208: {  	v2 =	vmul.f32 v3, v2  }
0x209: {  	s6 =	sand.u32 $0x70, s16;
	s16 =	smov.u32 s7;
	v1 =	vadd.f32 v4, v1  }
0x20a: {  	s0 =	sor.u32 s6, s0;
	v0 =	vadd.f32 v2, v0  }
0x20b: {  	[tilespmem:s0+$0x80] =	vst v1  }
0x20c: {  	s11 =	sshra.s32 s3, $0x2;
	[tilespmem:s0+$0x0] =	vst v0  }
0x20d: {  	v0 =	vld [tilespmem:s11+$0x12600]  }
0x20e: {  	v1 =	vld [tilespmem:s11+$0x12400]  }
0x20f: {  	v2 =	vld [tilespmem:s11+$0x12200]  }
0x210: {  	v3 =	vld [tilespmem:s11+$0x12000]  }
0x211: {  	v4 =	vld [tilespmem:s11+$0x11400]  }
0x212: {  	v5 =	vand.u32 $0xFFFF0000, v0  }
0x213: {  	v0 =	vshll.u32 v0, $0x10;
	v6 =	vshll.u32 v1, $0x10;
	v1 =	vand.u32 $0xFFFF0000, v1  }
0x214: {  	v7 =	vshll.u32 v2, $0x10;
	v0 =	vsub.f32 v0, v6;
	v5 =	vsub.f32 v5, v1  }
0x215: {  	v2 =	vand.u32 $0xFFFF0000, v2;
	v8 =	vshll.u32 v3, $0x10;
	v3 =	vand.u32 $0xFFFF0000, v3  }
0x216: {  	v7 =	vsub.f32 v7, v8;
	v2 =	vsub.f32 v2, v3;
	v5 =	vmul.f32 v5, v4  }
0x217: {  	v0 =	vmul.f32 v0, v4  }
0x218: {  	v7 =	vmul.f32 v7, v4;
	v2 =	vmul.f32 v2, v4;
	v1 =	vadd.f32 v1, v5  }
0x219: {  	v0 =	vadd.f32 v6, v0;
	v4 =	vld [tilespmem:s11+$0x11600]  }
0x21a: {  	v5 =	vadd.f32 v8, v7;
	v2 =	vadd.f32 v3, v2;
	_ =	sdelay $0x1  }
0x21b: {  	v0 =	vsub.f32 v0, v5;
	v1 =	vsub.f32 v1, v2;
	_ =	sdelay $0x1  }
0x21c: {  	v0 =	vmul.f32 v0, v4;
	v1 =	vmul.f32 v1, v4  }
0x21d: {  	s3 =	sand.u32 $0x300, s1;
	s0 =	sadd.s32 $0xFFFFFFF0, s7  }
0x21e: {  	s6 =	sand.u32 $0x60, s0;
	s0 =	sor.u32 $0x12C00, s3;
	v0 =	vadd.f32 v0, v5;
	v1 =	vadd.f32 v1, v2  }
0x21f: {  	s3 =	sor.u32 s6, s0  }
0x220: {  	[tilespmem:s3+$0x0] =	vst v0  }
0x221: {  	[tilespmem:s3+$0x80] =	vst v1  }
0x222: {  	v1 =	vld [tilespmem:s11+$0x12210]  }
0x223: {  	v2 =	vld [tilespmem:s11+$0x12610]  }
0x224: {  	v3 =	vld [tilespmem:s11+$0x12010]  }
0x225: {  	v4 =	vld [tilespmem:s11+$0x12410];
	_ =	sdelay $0x1  }
0x226: {  	v5 =	vld [tilespmem:s11+$0x11410]  }
0x227: {  	v6 =	vand.u32 $0xFFFF0000, v1;
	v7 =	vand.u32 $0xFFFF0000, v2  }
0x228: {  	v2 =	vshll.u32 v2, $0x10;
	v0 =	vshll.u32 v3, $0x10;
	v3 =	vand.u32 $0xFFFF0000, v3  }
0x229: {  	v8 =	vshll.u32 v4, $0x10;
	v9 =	vand.u32 $0xFFFF0000, v4;
	v4 =	vsub.f32 v6, v3  }
.Ltmp7:
0x22a: {  	v1 =	vshll.u32 v1, $0x10;
	v2 =	vsub.f32 v2, v8;
	v6 =	vsub.f32 v7, v9;
	(pc) =	sbr.rel @p0 .LBB2_15-.Ltmp7, $4  }
0x22b: {  	v1 =	vsub.f32 v1, v0;
	v7 =	vmul.f32 v4, v5  }
0x22c: {  	v10 =	vmul.f32 v2, v5;
	v6 =	vmul.f32 v6, v5  }
0x22d: {  	v4 =	vmul.f32 v1, v5;
	v2 =	vld [tilespmem:s11+$0x11610];
	v1 =	vadd.f32 v3, v7  }
0x22e: {  	v3 =	vadd.f32 v8, v10;
	v5 =	vadd.f32 v9, v6  }
0x22f: {  	v0 =	vadd.f32 v0, v4  }
0x230: {  	v61 =	vsub.f32 v5, v1  }
0x231: {  	v3 =	vsub.f32 v3, v0  }
0x232: {  	v4 =	vmul.f32 v61, v2  }
0x233: {  	v62 =	vmul.f32 v3, v2  }
0x234: {  	s1 =	sand.u32 $0x70, s16;
	v63 =	vadd.f32 v4, v1  }
0x235: {  	s0 =	sor.u32 s1, s0;
	v0 =	vadd.f32 v62, v0  }
0x236: {  	[tilespmem:s0+$0x80] =	vst v63  }
0x237: {  	s23 =	rddreg [dreg:$0xc];
	s24 =	simm.s32 $0x12C00;
	s25 =	simm.s32 $0x5;
	[tilespmem:s0+$0x0] =	vst v0  }
0x238: {  	[hbm4b:s23+s5] =	stream.linear.scatter [tilespmem:s24], [sflag:$0x6], $0x400, $0x38;
	[tilespmem:$0x13000] =	vst v63  }
0x239: {  	_ =	swait.ge [sflag:s25], $0x400  }
0x23a: {  	[sflag:s25] =	ssyncset.done $0x0  }
0x23b: {  	[sflag:s25] =	ssyncadd.s32 $0xFFFFFC00  }
0x23c: {  	_ =	swait.ge [sflag:s10], $0x400  }
0x23d: {  	s28 =	rddreg [dreg:$0xf]  }
0x23e: {  	s30 =	rddreg [dreg:$0xd];
	s1 =	sadd.s32 $0x1, s28  }
0x23f: {  	p0 =	sne.s32 s1, s30  }
.Ltmp8:
0x240: {  	_ = 	snop;
	(pc) =	sbr.rel @p0 .LBB2_1-.Ltmp8, $3  }
0x241: {  	_ =	sdelay $0x1  }
0x242: {  	[sflag:s10] =	ssyncset.done $0x0  }
0x243: {  	[sflag:s10] =	ssyncadd.s32 $0xFFFFFC00  }
0x244: {  	_ =	sfence.sel $0x180000  }
0x245: {  	[bflag:$0x0] =	sbarrier.arrive $0xFFFF  }
0x246: {  	_ =	strace $0x90000047  }
0x247: {  	s0 =	stileid.u32;
	[bflag:$0x2] =	sbarrier.arrive $0xFFFF  }
0x248: {  	p0 =	sne.s32 s0, $0x0;
	s0 =	rddreg [dreg:$0x4]  }
0x249: {  	s0 =	sadd.s32 @!p0 $0x100000, s0  }
0x24a: {  	[sflag:s0] =	ssyncadd.tile.s32 @!p0 $0x1;
	_ =	shalt  }
.Lfunc_end2:
_tile_overlayer_lowered:
.L_overlay_start_2:
0x24b: {  	(tag) =	ssettag $0x2  }
0x24c: {  	s0 =	rddreg [dreg:$0x0];
	s2 =	stileid.u32  }
0x24d: {  	s1 =	rddreg [dreg:$0x1];
	p0 =	sne.s32 s2, $0x0  }
0x24e: {  	s3 =	rddreg [dreg:$0x2];
	[bflag:$0x3] =	sbarrier.arrive $0xFFFF;
	s2 =	simm.s32 @!p0 $0x1C07  }
0x24f: {  	[timem:s3], [sflag:s2] =	dma.local @!p0 [hbm:s0], s1  }
0x250: {  	s0 =	simm.s32 @!p0 $0x7  }
0x251: {  	_ =	swait.ge @!p0 [sflag:s0], s1  }
0x252: {  	s1 =	ssub.s32 @!p0 $0x0, s1;
	[sflag:s0] =	ssyncset.done @!p0 $0x0  }
0x253: {  	[sflag:s0] =	ssyncadd.s32 @!p0 s1  }
0x254: {  	[bflag:$0x3] =	sbarrier.arrive $0xFFFF  }
0x255: {  	_ =	shalt  }

</sc_bundles>
